<compile_context>
chip_gen: v7x
topology: tpu7x:2x2x1
jax: 0.10.2.dev20260603
libtpu: 0.0.44.dev20260713+nightly
codegen_flags: <defaults>
</compile_context>

<pallas_src>
import functools

import jax
import jax.numpy as jnp
from jax import lax
from jax.experimental import pallas as pl
from jax.experimental.pallas import tpu as pltpu
from jax.experimental.pallas import tpu_sc as plsc

N_NODES = 10000
N_EDGES = 320000
D_MODEL = 128
N_HEADS = 8
HEAD_DIM = 16
ROW_W = 144
N_WORKERS = 32
EDGES_PER_W = N_EDGES // N_WORKERS
BLK = 40
N_BLKS = EDGES_PER_W // BLK
IDX_W = 20
IDX_H = IDX_W // 2
N_PAIRS = N_BLKS // 2
ACC_ROWS = N_NODES
ROWS_PER_TILE = ACC_ROWS // 16


def _proj_body(x_ref, w_ref, o_ref):
    o_ref[...] = lax.dot_general(
        x_ref[...], w_ref[...], (((1,), (1,)), ((), ())),
        preferred_element_type=jnp.float32)


def _project(x, w, blk_rows=400):
    n, d_in = x.shape
    d_out = w.shape[0]
    grid = (n // blk_rows,)
    return pl.pallas_call(
        _proj_body,
        grid=grid,
        in_specs=[
            pl.BlockSpec((blk_rows, d_in), lambda i: (i, 0)),
            pl.BlockSpec((d_out, d_in), lambda i: (0, 0)),
        ],
        out_specs=pl.BlockSpec((blk_rows, d_out), lambda i: (i, 0)),
        out_shape=jax.ShapeDtypeStruct((n, d_out), jnp.float32),
    )(x, w)


def _edge_kernel_body(q_hbm, kv_hbm, t_hbm, s_hbm, zeros_hbm, out_hbm,
                      tidx, sidx,
                      qrows_a, kvrows_a, qrows_b, kvrows_b,
                      numbuf, acc, sq_a, sk_a, sq_b, sk_b):
    cid = lax.axis_index("c")
    sid = lax.axis_index("s")
    wid = sid * 2 + cid
    ebase = wid * EDGES_PER_W

    pltpu.sync_copy(zeros_hbm, acc.at[pl.ds(sid * ROWS_PER_TILE, ROWS_PER_TILE)])
    plsc.subcore_barrier()

    lane = lax.iota(jnp.int32, 16)
    perms = [lane ^ st for st in (8, 4, 2, 1)]

    bbase = wid * N_BLKS

    def refresh_idx(start_blk, row0, nrows):
        pltpu.sync_copy(t_hbm.at[pl.ds(bbase + start_blk, nrows)],
                        tidx.at[pl.ds(row0, nrows)])
        pltpu.sync_copy(s_hbm.at[pl.ds(bbase + start_blk, nrows)],
                        sidx.at[pl.ds(row0, nrows)])

    def issue(r, qrows, kvrows, sq, sk):
        pltpu.async_copy(q_hbm.at[tidx.at[r]], qrows, sq)
        pltpu.async_copy(kv_hbm.at[sidx.at[r]], kvrows, sk)

    def wait(r, qrows, kvrows, sq, sk):
        pltpu.make_async_copy(q_hbm.at[tidx.at[r]], qrows, sq).wait()
        pltpu.make_async_copy(kv_hbm.at[sidx.at[r]], kvrows, sk).wait()

    def compute(r, qrows, kvrows):
        def edge_body(i, carry):
            dv = jnp.zeros((16,), jnp.float32)
            for h in range(N_HEADS):
                qh = qrows[i, pl.ds(HEAD_DIM * h, HEAD_DIM)]
                kh = kvrows[i, pl.ds(HEAD_DIM * h, HEAD_DIM)]
                prod = qh * kh
                for p in perms:
                    prod = prod + jnp.take(prod, p)
                exv = jnp.exp(prod * 0.25)
                vh = kvrows[i, pl.ds(D_MODEL + HEAD_DIM * h, HEAD_DIM)]
                numbuf[i, pl.ds(HEAD_DIM * h, HEAD_DIM)] = exv * vh
                dv = dv + jnp.where(lane == h, exv, 0.0)
            numbuf[i, pl.ds(D_MODEL, HEAD_DIM)] = dv
            return carry

        lax.fori_loop(0, BLK, edge_body, 0)
        pltpu.sync_copy(numbuf, acc.at[tidx.at[r]], add=True)

    refresh_idx(0, 0, IDX_H)
    issue(0, qrows_a, kvrows_a, sq_a, sk_a)

    def body(it, _):
        blk_a = 2 * it
        ra = lax.rem(blk_a, IDX_W)
        rb = ra + 1
        wait(ra, qrows_a, kvrows_a, sq_a, sk_a)
        issue(rb, qrows_b, kvrows_b, sq_b, sk_b)
        compute(ra, qrows_a, kvrows_a)
        wait(rb, qrows_b, kvrows_b, sq_b, sk_b)

        @pl.when((lax.rem(ra, IDX_H) == 2) & (blk_a + 8 + IDX_H <= N_BLKS))
        def _refresh():
            row0 = jnp.where(ra == 2, IDX_H, 0).astype(jnp.int32)
            refresh_idx(blk_a + 8, row0, IDX_H)

        @pl.when(it < N_PAIRS - 1)
        def _issue_next():
            issue(lax.rem(blk_a + 2, IDX_W), qrows_a, kvrows_a, sq_a, sk_a)

        compute(rb, qrows_b, kvrows_b)
        return _

    lax.fori_loop(0, N_PAIRS, body, 0)

    plsc.subcore_barrier()
    pltpu.sync_copy(acc.at[pl.ds(sid * ROWS_PER_TILE, ROWS_PER_TILE)],
                    out_hbm.at[cid, pl.ds(sid * ROWS_PER_TILE, ROWS_PER_TILE)])


def _edge_stage(q, kv, t, s, zeros):
    mesh = plsc.VectorSubcoreMesh(core_axis_name="c", subcore_axis_name="s")
    kern = pl.kernel(
        _edge_kernel_body,
        out_type=jax.ShapeDtypeStruct((2, N_NODES, ROW_W), jnp.float32),
        mesh=mesh,
        scratch_types=[
            pltpu.VMEM((IDX_W, BLK), jnp.int32),
            pltpu.VMEM((IDX_W, BLK), jnp.int32),
            pltpu.VMEM((BLK, D_MODEL), jnp.float32),
            pltpu.VMEM((BLK, 2 * D_MODEL), jnp.float32),
            pltpu.VMEM((BLK, D_MODEL), jnp.float32),
            pltpu.VMEM((BLK, 2 * D_MODEL), jnp.float32),
            pltpu.VMEM((BLK, ROW_W), jnp.float32),
            pltpu.VMEM_SHARED((N_NODES, ROW_W), jnp.float32),
            pltpu.SemaphoreType.DMA,
            pltpu.SemaphoreType.DMA,
            pltpu.SemaphoreType.DMA,
            pltpu.SemaphoreType.DMA,
        ],
        compiler_params=pltpu.CompilerParams(use_tc_tiling_on_sc=False),
    )
    return kern(q, kv, t, s, zeros)


def _epi_body(a0_ref, a1_ref, e_ref, w_ref, b_ref, o_ref):
    a = a0_ref[...] + a1_ref[...]
    num = a[:, :D_MODEL]
    den = a[:, D_MODEL:D_MODEL + N_HEADS]
    denf = lax.dot_general(den, e_ref[...], (((1,), (0,)), ((), ())),
                           preferred_element_type=jnp.float32)
    y = num / (denf + 1e-16)
    o_ref[...] = lax.dot_general(y, w_ref[...], (((1,), (1,)), ((), ())),
                                 preferred_element_type=jnp.float32) + b_ref[...]


def _epilogue(acc, w_out, b_out, blk_rows=400):
    expand = jnp.repeat(jnp.eye(N_HEADS, dtype=jnp.float32), HEAD_DIM, axis=1)
    grid = (N_NODES // blk_rows,)
    return pl.pallas_call(
        _epi_body,
        grid=grid,
        in_specs=[
            pl.BlockSpec((blk_rows, ROW_W), lambda i: (i, 0)),
            pl.BlockSpec((blk_rows, ROW_W), lambda i: (i, 0)),
            pl.BlockSpec((N_HEADS, D_MODEL), lambda i: (0, 0)),
            pl.BlockSpec((D_MODEL, D_MODEL), lambda i: (0, 0)),
            pl.BlockSpec((1, D_MODEL), lambda i: (0, 0)),
        ],
        out_specs=pl.BlockSpec((blk_rows, D_MODEL), lambda i: (i, 0)),
        out_shape=jax.ShapeDtypeStruct((N_NODES, D_MODEL), jnp.float32),
    )(acc[0], acc[1], expand, w_out, b_out.reshape(1, D_MODEL))


def kernel(input, other, coupling, W_q, W_kv, W_out, b_out):
    q = _project(input, W_q)
    kv = _project(other, W_kv)
    t = coupling[0].reshape(N_EDGES // BLK, BLK)
    s = coupling[1].reshape(N_EDGES // BLK, BLK)
    zeros = jnp.zeros((ROWS_PER_TILE, ROW_W), jnp.float32)
    acc = _edge_stage(q, kv, t, s, zeros)
    return _epilogue(acc[:, :N_NODES], W_out, b_out)

# --- scband reference (transcript-rebuilt; emitter-appended) ---
"""Pipeline reference for scband-bipartite-mhxa-85383949844814 (READ-ONLY COPY).

The authoritative reference and input builder live on the scoring server;
editing this copy changes nothing except your own understanding.
"""

import jax, jax.numpy as jnp
import numpy as np

N_Q = 10000
N_KV = 10000
E = 320000
D = 128
H = 8


def setup_inputs(seed: int = 0) -> dict:
    key = jax.random.key(seed)
    ks = jax.random.split(key, 7)
    inp = {}
    inp["input"] = jax.random.normal(ks[0], (N_Q, D), dtype=jnp.float32)
    inp["other"] = jax.random.normal(ks[1], (N_KV, D), dtype=jnp.float32)
    inp["coupling"] = jax.random.randint(ks[2], (2, E), 0, N_Q, dtype=jnp.int32)
    # learned parameters (torch nn.Linear stores weight as [out, in]; y = x @ W.T + b)
    inp["W_q"] = jax.random.normal(ks[3], (D, D), dtype=jnp.float32) / np.sqrt(D)
    inp["W_kv"] = jax.random.normal(ks[4], (2 * D, D), dtype=jnp.float32) / np.sqrt(D)
    inp["W_out"] = jax.random.normal(ks[5], (D, D), dtype=jnp.float32) / np.sqrt(D)
    inp["b_out"] = jnp.zeros((D,), dtype=jnp.float32)
    return inp


def reference(input, other, coupling, W_q, W_kv, W_out, b_out):
    t = coupling[0]
    s = coupling[1]
    f = D // H
    # projections
    q = (input @ W_q.T).reshape(N_Q, H, f)            # 'N (h f) -> N h f'
    kv = other @ W_kv.T
    k, v = jnp.split(kv, 2, axis=-1)
    k = k.reshape(N_KV, H, f)
    v = v.reshape(N_KV, H, f)
    # per-edge attention score: matmul(q[t], k[s]) over feature dim
    score = jnp.sum(q[t] * k[s], axis=-1) / jnp.sqrt(jnp.float32(f))   # [E, H]
    # scatter_softmax over edges grouped by destination t (dim_size = N_Q)
    smax = jax.ops.segment_max(score, t, num_segments=N_Q)
    smax = jnp.where(jnp.isfinite(smax), smax, 0.0)
    ex = jnp.exp(score - smax[t])
    denom = jax.ops.segment_sum(ex, t, num_segments=N_Q)
    alpha = ex / (denom[t] + 1e-16)                    # [E, H]
    # scatter_sum of alpha * v[s] into destination nodes
    out = jax.ops.segment_sum(alpha[..., None] * v[s], t, num_segments=N_Q)  # [N_Q, H, f]
    out = out.reshape(N_Q, D)                          # '... h f -> ... (h f)'
    return out @ W_out.T + b_out

if __name__ == "__main__":
    import jax
    _d = setup_inputs()
    print(jax.jit(kernel)(*tuple(_d.values())))

</pallas_src>

<mosaic_0001>
#map = affine_map<(d0, d1) -> (0, 0)>
#map1 = affine_map<(d0, d1) -> (0, 0, 0)>
module attributes {stable_mosaic.version = 14 : i64} {
  func.func @_edge_kernel_body(%arg0: i32, %arg1: i32, %arg2: memref<10000x128xf32, #tpu.memory_space<hbm>>, %arg3: memref<10000x256xf32, #tpu.memory_space<hbm>>, %arg4: memref<8000x40xi32, #tpu.memory_space<hbm>>, %arg5: memref<8000x40xi32, #tpu.memory_space<hbm>>, %arg6: memref<625x144xf32, #tpu.memory_space<hbm>>, %arg7: memref<2x10000x144xf32, #tpu.memory_space<hbm>>, %arg8: memref<20x40xi32, #tpu.memory_space<vmem>>, %arg9: memref<20x40xi32, #tpu.memory_space<vmem>>, %arg10: memref<40x128xf32, #tpu.memory_space<vmem>>, %arg11: memref<40x256xf32, #tpu.memory_space<vmem>>, %arg12: memref<40x128xf32, #tpu.memory_space<vmem>>, %arg13: memref<40x256xf32, #tpu.memory_space<vmem>>, %arg14: memref<40x144xf32, #tpu.memory_space<vmem>>, %arg15: memref<10000x144xf32, #tpu.memory_space<vmem_shared>>, %arg16: memref<!tpu.dma_semaphore, #tpu.memory_space<semaphore_mem>>, %arg17: memref<!tpu.dma_semaphore, #tpu.memory_space<semaphore_mem>>, %arg18: memref<!tpu.dma_semaphore, #tpu.memory_space<semaphore_mem>>, %arg19: memref<!tpu.dma_semaphore, #tpu.memory_space<semaphore_mem>>) attributes {dimension_semantics = [#tpu.dimension_semantics<core_parallel>, #tpu.dimension_semantics<subcore_parallel>], iteration_bounds = array<i64: 2, 16>, scalar_prefetch = 0 : i64, scratch_operands = 12 : i64, tpu.core_type = #tpu.core_type<sc_vector_subcore>, window_params = [{transform_indices = #map}, {transform_indices = #map}, {transform_indices = #map}, {transform_indices = #map}, {transform_indices = #map}, {transform_indices = #map1}]} {
    %mul3A = arith.constant 2 : i32
    %mul3A_0 = arith.muli %arg1, %mul3A : i32
    %add3A = arith.addi %mul3A_0, %arg0 : i32
    %mul3A_1 = arith.constant 10000 : i32
    %mul3A_2 = arith.muli %add3A, %mul3A_1 : i32
    %mul3A_3 = arith.constant 625 : i32
    %mul3A_4 = arith.muli %arg1, %mul3A_3 : i32
    "tpu.region"() ({
      %run_scoped3A = tpu.sem_alloc : memref<!tpu.dma_semaphore, #tpu.memory_space<semaphore_mem>>
      %dma_start3A_45 = arith.constant 0 : i32
      %dma_start3A_46 = tpu.memref_slice %arg15[%mul3A_4, %dma_start3A_45] : memref<10000x144xf32, #tpu.memory_space<vmem_shared>> -> memref<625x144xf32, #tpu.memory_space<vmem_shared>>
      tpu.enqueue_dma source(%arg6 : memref<625x144xf32, #tpu.memory_space<hbm>>) target(%dma_start3A_46 : memref<625x144xf32, #tpu.memory_space<vmem_shared>>) target_semaphore(%run_scoped3A : memref<!tpu.dma_semaphore, #tpu.memory_space<semaphore_mem>>)
      %dma_wait3A = arith.constant 0 : i32
      %dma_wait3A_47 = tpu.memref_slice %arg15[%mul3A_4, %dma_wait3A] : memref<10000x144xf32, #tpu.memory_space<vmem_shared>> -> memref<625x144xf32, #tpu.memory_space<vmem_shared>>
      tpu.wait_dma2 semaphore(%run_scoped3A : memref<!tpu.dma_semaphore, #tpu.memory_space<semaphore_mem>>) src(%arg6 : memref<625x144xf32, #tpu.memory_space<hbm>>) dst(%dma_wait3A_47 : memref<625x144xf32, #tpu.memory_space<vmem_shared>>)
      tpu.yield
    }) : () -> ()
    %barrier3A = arith.constant 0 : index
    tpu.barrier barrier_id(%barrier3A)
    %iota3A = tpu.iota {dimensions = array<i32: 0>} : vector<16xi32>
    %xor3A = arith.constant 8 : i32
    %xor3A_5 = vector.broadcast %xor3A : i32 to vector<16xi32>
    %xor3A_6 = arith.xori %iota3A, %xor3A_5 : vector<16xi32>
    %xor3A_7 = arith.constant 4 : i32
    %xor3A_8 = vector.broadcast %xor3A_7 : i32 to vector<16xi32>
    %xor3A_9 = arith.xori %iota3A, %xor3A_8 : vector<16xi32>
    %xor3A_10 = arith.constant 2 : i32
    %xor3A_11 = vector.broadcast %xor3A_10 : i32 to vector<16xi32>
    %xor3A_12 = arith.xori %iota3A, %xor3A_11 : vector<16xi32>
    %xor3A_13 = arith.constant 1 : i32
    %xor3A_14 = vector.broadcast %xor3A_13 : i32 to vector<16xi32>
    %xor3A_15 = arith.xori %iota3A, %xor3A_14 : vector<16xi32>
    %mul3A_16 = arith.constant 250 : i32
    %mul3A_17 = arith.muli %add3A, %mul3A_16 : i32
    %add3A_18 = arith.constant 0 : i32
    %add3A_19 = arith.addi %mul3A_17, %add3A_18 : i32
    "tpu.region"() ({
      %run_scoped3A = tpu.sem_alloc : memref<!tpu.dma_semaphore, #tpu.memory_space<semaphore_mem>>
      %dma_start3A_45 = arith.constant 0 : i32
      %dma_start3A_46 = arith.constant 0 : i32
      %dma_start3A_47 = tpu.memref_slice %arg8[%dma_start3A_45, %dma_start3A_46] : memref<20x40xi32, #tpu.memory_space<vmem>> -> memref<10x40xi32, #tpu.memory_space<vmem>>
      %dma_start3A_48 = arith.constant 0 : i32
      %dma_start3A_49 = tpu.memref_slice %arg4[%add3A_19, %dma_start3A_48] : memref<8000x40xi32, #tpu.memory_space<hbm>> -> memref<10x40xi32, #tpu.memory_space<hbm>>
      %dma_start3A_50 = arith.constant 0 : i32
      %dma_start3A_51 = arith.constant 0 : i32
      %dma_start3A_52 = tpu.memref_slice %arg8[%dma_start3A_50, %dma_start3A_51] : memref<20x40xi32, #tpu.memory_space<vmem>> -> memref<10x40xi32, #tpu.memory_space<vmem>>
      %dma_start3A_53 = arith.constant 0 : i32
      %dma_start3A_54 = tpu.memref_slice %arg4[%add3A_19, %dma_start3A_53] : memref<8000x40xi32, #tpu.memory_space<hbm>> -> memref<10x40xi32, #tpu.memory_space<hbm>>
      tpu.enqueue_dma source(%dma_start3A_54 : memref<10x40xi32, #tpu.memory_space<hbm>>) target(%dma_start3A_52 : memref<10x40xi32, #tpu.memory_space<vmem>>) target_semaphore(%run_scoped3A : memref<!tpu.dma_semaphore, #tpu.memory_space<semaphore_mem>>)
      %dma_wait3A = arith.constant 0 : i32
      %dma_wait3A_55 = arith.constant 0 : i32
      %dma_wait3A_56 = tpu.memref_slice %arg8[%dma_wait3A, %dma_wait3A_55] : memref<20x40xi32, #tpu.memory_space<vmem>> -> memref<10x40xi32, #tpu.memory_space<vmem>>
      %dma_wait3A_57 = arith.constant 0 : i32
      %dma_wait3A_58 = tpu.memref_slice %arg4[%add3A_19, %dma_wait3A_57] : memref<8000x40xi32, #tpu.memory_space<hbm>> -> memref<10x40xi32, #tpu.memory_space<hbm>>
      %dma_wait3A_59 = arith.constant 0 : i32
      %dma_wait3A_60 = arith.constant 0 : i32
      %dma_wait3A_61 = tpu.memref_slice %arg8[%dma_wait3A_59, %dma_wait3A_60] : memref<20x40xi32, #tpu.memory_space<vmem>> -> memref<10x40xi32, #tpu.memory_space<vmem>>
      %dma_wait3A_62 = arith.constant 0 : i32
      %dma_wait3A_63 = tpu.memref_slice %arg4[%add3A_19, %dma_wait3A_62] : memref<8000x40xi32, #tpu.memory_space<hbm>> -> memref<10x40xi32, #tpu.memory_space<hbm>>
      tpu.wait_dma2 semaphore(%run_scoped3A : memref<!tpu.dma_semaphore, #tpu.memory_space<semaphore_mem>>) src(%dma_wait3A_63 : memref<10x40xi32, #tpu.memory_space<hbm>>) dst(%dma_wait3A_61 : memref<10x40xi32, #tpu.memory_space<vmem>>)
      tpu.yield
    }) : () -> ()
    %add3A_20 = arith.constant 0 : i32
    %add3A_21 = arith.addi %mul3A_17, %add3A_20 : i32
    "tpu.region"() ({
      %run_scoped3A = tpu.sem_alloc : memref<!tpu.dma_semaphore, #tpu.memory_space<semaphore_mem>>
      %dma_start3A_45 = arith.constant 0 : i32
      %dma_start3A_46 = arith.constant 0 : i32
      %dma_start3A_47 = tpu.memref_slice %arg9[%dma_start3A_45, %dma_start3A_46] : memref<20x40xi32, #tpu.memory_space<vmem>> -> memref<10x40xi32, #tpu.memory_space<vmem>>
      %dma_start3A_48 = arith.constant 0 : i32
      %dma_start3A_49 = tpu.memref_slice %arg5[%add3A_21, %dma_start3A_48] : memref<8000x40xi32, #tpu.memory_space<hbm>> -> memref<10x40xi32, #tpu.memory_space<hbm>>
      %dma_start3A_50 = arith.constant 0 : i32
      %dma_start3A_51 = arith.constant 0 : i32
      %dma_start3A_52 = tpu.memref_slice %arg9[%dma_start3A_50, %dma_start3A_51] : memref<20x40xi32, #tpu.memory_space<vmem>> -> memref<10x40xi32, #tpu.memory_space<vmem>>
      %dma_start3A_53 = arith.constant 0 : i32
      %dma_start3A_54 = tpu.memref_slice %arg5[%add3A_21, %dma_start3A_53] : memref<8000x40xi32, #tpu.memory_space<hbm>> -> memref<10x40xi32, #tpu.memory_space<hbm>>
      tpu.enqueue_dma source(%dma_start3A_54 : memref<10x40xi32, #tpu.memory_space<hbm>>) target(%dma_start3A_52 : memref<10x40xi32, #tpu.memory_space<vmem>>) target_semaphore(%run_scoped3A : memref<!tpu.dma_semaphore, #tpu.memory_space<semaphore_mem>>)
      %dma_wait3A = arith.constant 0 : i32
      %dma_wait3A_55 = arith.constant 0 : i32
      %dma_wait3A_56 = tpu.memref_slice %arg9[%dma_wait3A, %dma_wait3A_55] : memref<20x40xi32, #tpu.memory_space<vmem>> -> memref<10x40xi32, #tpu.memory_space<vmem>>
      %dma_wait3A_57 = arith.constant 0 : i32
      %dma_wait3A_58 = tpu.memref_slice %arg5[%add3A_21, %dma_wait3A_57] : memref<8000x40xi32, #tpu.memory_space<hbm>> -> memref<10x40xi32, #tpu.memory_space<hbm>>
      %dma_wait3A_59 = arith.constant 0 : i32
      %dma_wait3A_60 = arith.constant 0 : i32
      %dma_wait3A_61 = tpu.memref_slice %arg9[%dma_wait3A_59, %dma_wait3A_60] : memref<20x40xi32, #tpu.memory_space<vmem>> -> memref<10x40xi32, #tpu.memory_space<vmem>>
      %dma_wait3A_62 = arith.constant 0 : i32
      %dma_wait3A_63 = tpu.memref_slice %arg5[%add3A_21, %dma_wait3A_62] : memref<8000x40xi32, #tpu.memory_space<hbm>> -> memref<10x40xi32, #tpu.memory_space<hbm>>
      tpu.wait_dma2 semaphore(%run_scoped3A : memref<!tpu.dma_semaphore, #tpu.memory_space<semaphore_mem>>) src(%dma_wait3A_63 : memref<10x40xi32, #tpu.memory_space<hbm>>) dst(%dma_wait3A_61 : memref<10x40xi32, #tpu.memory_space<vmem>>)
      tpu.yield
    }) : () -> ()
    %dma_start3A = arith.constant 0 : i32
    %dma_start3A_22 = arith.constant 0 : i32
    %dma_start3A_23 = tpu.memref_slice %arg8[%dma_start3A, %dma_start3A_22] : memref<20x40xi32, #tpu.memory_space<vmem>> -> memref<1x40xi32, #tpu.memory_space<vmem>>
    %dma_start3A_24 = tpu.memref_squeeze %dma_start3A_23 : memref<1x40xi32, #tpu.memory_space<vmem>> -> memref<40xi32, #tpu.memory_space<vmem>>
    %dma_start3A_25 = arith.constant 0 : i32
    %dma_start3A_26 = arith.constant 0 : i32
    %dma_start3A_27 = tpu.memref_slice %arg2[%dma_start3A_25, %dma_start3A_26] : memref<10000x128xf32, #tpu.memory_space<hbm>> -> memref<10000x128xf32, #tpu.memory_space<hbm>>
    tpu.enqueue_indirect_dma source(%dma_start3A_27 : memref<10000x128xf32, #tpu.memory_space<hbm>>) target(%arg10 : memref<40x128xf32, #tpu.memory_space<vmem>>) offsets(%dma_start3A_24 : memref<40xi32, #tpu.memory_space<vmem>>) semaphore(%arg16 : memref<!tpu.dma_semaphore, #tpu.memory_space<semaphore_mem>>)
    %dma_start3A_28 = arith.constant 0 : i32
    %dma_start3A_29 = arith.constant 0 : i32
    %dma_start3A_30 = tpu.memref_slice %arg9[%dma_start3A_28, %dma_start3A_29] : memref<20x40xi32, #tpu.memory_space<vmem>> -> memref<1x40xi32, #tpu.memory_space<vmem>>
    %dma_start3A_31 = tpu.memref_squeeze %dma_start3A_30 : memref<1x40xi32, #tpu.memory_space<vmem>> -> memref<40xi32, #tpu.memory_space<vmem>>
    %dma_start3A_32 = arith.constant 0 : i32
    %dma_start3A_33 = arith.constant 0 : i32
    %dma_start3A_34 = tpu.memref_slice %arg3[%dma_start3A_32, %dma_start3A_33] : memref<10000x256xf32, #tpu.memory_space<hbm>> -> memref<10000x256xf32, #tpu.memory_space<hbm>>
    tpu.enqueue_indirect_dma source(%dma_start3A_34 : memref<10000x256xf32, #tpu.memory_space<hbm>>) target(%arg11 : memref<40x256xf32, #tpu.memory_space<vmem>>) offsets(%dma_start3A_31 : memref<40xi32, #tpu.memory_space<vmem>>) semaphore(%arg17 : memref<!tpu.dma_semaphore, #tpu.memory_space<semaphore_mem>>)
    %scan3A = arith.constant 0 : i32
    %scan3A_35 = arith.constant 0 : i32
    %scan3A_36 = arith.constant 125 : i32
    %scan3A_37 = arith.addi %scan3A_35, %scan3A_36 : i32
    %scan3A_38 = arith.constant 1 : i32
    scf.for %scan3A_45 = %scan3A_35 to %scan3A_37 step %scan3A_38  : i32 {
      %mul3A_46 = arith.constant 2 : i32
      %mul3A_47 = arith.muli %mul3A_46, %scan3A_45 : i32
      %rem3A = arith.constant 20 : i32
      %rem3A_48 = arith.remsi %mul3A_47, %rem3A : i32
      %add3A_49 = arith.constant 1 : i32
      %add3A_50 = arith.addi %rem3A_48, %add3A_49 : i32
      %dma_wait3A = arith.constant 0 : i32
      %dma_wait3A_51 = tpu.memref_slice %arg8[%rem3A_48, %dma_wait3A] : memref<20x40xi32, #tpu.memory_space<vmem>> -> memref<1x40xi32, #tpu.memory_space<vmem>>
      %dma_wait3A_52 = tpu.memref_squeeze %dma_wait3A_51 : memref<1x40xi32, #tpu.memory_space<vmem>> -> memref<40xi32, #tpu.memory_space<vmem>>
      %dma_wait3A_53 = arith.constant 0 : i32
      %dma_wait3A_54 = arith.constant 0 : i32
      %dma_wait3A_55 = tpu.memref_slice %arg2[%dma_wait3A_53, %dma_wait3A_54] : memref<10000x128xf32, #tpu.memory_space<hbm>> -> memref<10000x128xf32, #tpu.memory_space<hbm>>
      tpu.wait_indirect_dma semaphore(%arg16 : memref<!tpu.dma_semaphore, #tpu.memory_space<semaphore_mem>>) src(%dma_wait3A_55 : memref<10000x128xf32, #tpu.memory_space<hbm>>) dst(%arg10 : memref<40x128xf32, #tpu.memory_space<vmem>>)
      %dma_wait3A_56 = arith.constant 0 : i32
      %dma_wait3A_57 = tpu.memref_slice %arg9[%rem3A_48, %dma_wait3A_56] : memref<20x40xi32, #tpu.memory_space<vmem>> -> memref<1x40xi32, #tpu.memory_space<vmem>>
      %dma_wait3A_58 = tpu.memref_squeeze %dma_wait3A_57 : memref<1x40xi32, #tpu.memory_space<vmem>> -> memref<40xi32, #tpu.memory_space<vmem>>
      %dma_wait3A_59 = arith.constant 0 : i32
      %dma_wait3A_60 = arith.constant 0 : i32
      %dma_wait3A_61 = tpu.memref_slice %arg3[%dma_wait3A_59, %dma_wait3A_60] : memref<10000x256xf32, #tpu.memory_space<hbm>> -> memref<10000x256xf32, #tpu.memory_space<hbm>>
      tpu.wait_indirect_dma semaphore(%arg17 : memref<!tpu.dma_semaphore, #tpu.memory_space<semaphore_mem>>) src(%dma_wait3A_61 : memref<10000x256xf32, #tpu.memory_space<hbm>>) dst(%arg11 : memref<40x256xf32, #tpu.memory_space<vmem>>)
      %dma_start3A_62 = arith.constant 0 : i32
      %dma_start3A_63 = tpu.memref_slice %arg8[%add3A_50, %dma_start3A_62] : memref<20x40xi32, #tpu.memory_space<vmem>> -> memref<1x40xi32, #tpu.memory_space<vmem>>
      %dma_start3A_64 = tpu.memref_squeeze %dma_start3A_63 : memref<1x40xi32, #tpu.memory_space<vmem>> -> memref<40xi32, #tpu.memory_space<vmem>>
      %dma_start3A_65 = arith.constant 0 : i32
      %dma_start3A_66 = arith.constant 0 : i32
      %dma_start3A_67 = tpu.memref_slice %arg2[%dma_start3A_65, %dma_start3A_66] : memref<10000x128xf32, #tpu.memory_space<hbm>> -> memref<10000x128xf32, #tpu.memory_space<hbm>>
      tpu.enqueue_indirect_dma source(%dma_start3A_67 : memref<10000x128xf32, #tpu.memory_space<hbm>>) target(%arg12 : memref<40x128xf32, #tpu.memory_space<vmem>>) offsets(%dma_start3A_64 : memref<40xi32, #tpu.memory_space<vmem>>) semaphore(%arg18 : memref<!tpu.dma_semaphore, #tpu.memory_space<semaphore_mem>>)
      %dma_start3A_68 = arith.constant 0 : i32
      %dma_start3A_69 = tpu.memref_slice %arg9[%add3A_50, %dma_start3A_68] : memref<20x40xi32, #tpu.memory_space<vmem>> -> memref<1x40xi32, #tpu.memory_space<vmem>>
      %dma_start3A_70 = tpu.memref_squeeze %dma_start3A_69 : memref<1x40xi32, #tpu.memory_space<vmem>> -> memref<40xi32, #tpu.memory_space<vmem>>
      %dma_start3A_71 = arith.constant 0 : i32
      %dma_start3A_72 = arith.constant 0 : i32
      %dma_start3A_73 = tpu.memref_slice %arg3[%dma_start3A_71, %dma_start3A_72] : memref<10000x256xf32, #tpu.memory_space<hbm>> -> memref<10000x256xf32, #tpu.memory_space<hbm>>
      tpu.enqueue_indirect_dma source(%dma_start3A_73 : memref<10000x256xf32, #tpu.memory_space<hbm>>) target(%arg13 : memref<40x256xf32, #tpu.memory_space<vmem>>) offsets(%dma_start3A_70 : memref<40xi32, #tpu.memory_space<vmem>>) semaphore(%arg19 : memref<!tpu.dma_semaphore, #tpu.memory_space<semaphore_mem>>)
      %scan3A_74 = arith.constant 0 : i32
      %scan3A_75 = arith.constant 0 : i32
      %scan3A_76 = arith.constant 40 : i32
      %scan3A_77 = arith.addi %scan3A_75, %scan3A_76 : i32
      %scan3A_78 = arith.constant 1 : i32
      scf.for %scan3A_111 = %scan3A_75 to %scan3A_77 step %scan3A_78  : i32 {
        %broadcast_in_dim3A = arith.constant 0.000000e+00 : f32
        %broadcast_in_dim3A_112 = vector.broadcast %broadcast_in_dim3A : f32 to vector<16xf32>
        %get3A = arith.index_cast %scan3A_111 : i32 to index
        %get3A_113 = arith.constant 0 : index
        %get3A_114 = tpu.vector_load %arg10[%get3A, %get3A_113] {strides = array<i32>} : memref<40x128xf32, #tpu.memory_space<vmem>>, vector<1x16xf32>,
        %get3A_115 = vector.shape_cast %get3A_114 : vector<1x16xf32> to vector<16xf32>
        %get3A_116 = arith.index_cast %scan3A_111 : i32 to index
        %get3A_117 = arith.constant 0 : index
        %get3A_118 = tpu.vector_load %arg11[%get3A_116, %get3A_117] {strides = array<i32>} : memref<40x256xf32, #tpu.memory_space<vmem>>, vector<1x16xf32>,
        %get3A_119 = vector.shape_cast %get3A_118 : vector<1x16xf32> to vector<16xf32>
        %mul3A_120 = arith.mulf %get3A_115, %get3A_119 : vector<16xf32>
        %lt3A_121 = arith.constant 0 : i32
        %lt3A_122 = vector.broadcast %lt3A_121 : i32 to vector<16xi32>
        %lt3A_123 = arith.cmpi slt, %xor3A_6, %lt3A_122 : vector<16xi32>
        %add3A_124 = arith.constant 16 : i32
        %add3A_125 = vector.broadcast %add3A_124 : i32 to vector<16xi32>
        %add3A_126 = arith.addi %xor3A_6, %add3A_125 : vector<16xi32>
        %select_n3A = arith.select %lt3A_123, %add3A_126, %xor3A_6 : vector<16xi1>, vector<16xi32>
        %broadcast_in_dim3A_127 = vector.shape_cast %select_n3A : vector<16xi32> to vector<16x1xi32>
        %gather3A = vector.shape_cast %broadcast_in_dim3A_127 : vector<16x1xi32> to vector<16xi32>
        %gather3A_128 = tpu.dynamic_gather %mul3A_120[%gather3A] in [0] : vector<16xf32>, vector<16xi32> -> vector<16xf32>
        %add3A_129 = arith.addf %mul3A_120, %gather3A_128 : vector<16xf32>
        %lt3A_130 = arith.constant 0 : i32
        %lt3A_131 = vector.broadcast %lt3A_130 : i32 to vector<16xi32>
        %lt3A_132 = arith.cmpi slt, %xor3A_9, %lt3A_131 : vector<16xi32>
        %add3A_133 = arith.constant 16 : i32
        %add3A_134 = vector.broadcast %add3A_133 : i32 to vector<16xi32>
        %add3A_135 = arith.addi %xor3A_9, %add3A_134 : vector<16xi32>
        %select_n3A_136 = arith.select %lt3A_132, %add3A_135, %xor3A_9 : vector<16xi1>, vector<16xi32>
        %broadcast_in_dim3A_137 = vector.shape_cast %select_n3A_136 : vector<16xi32> to vector<16x1xi32>
        %gather3A_138 = vector.shape_cast %broadcast_in_dim3A_137 : vector<16x1xi32> to vector<16xi32>
        %gather3A_139 = tpu.dynamic_gather %add3A_129[%gather3A_138] in [0] : vector<16xf32>, vector<16xi32> -> vector<16xf32>
        %add3A_140 = arith.addf %add3A_129, %gather3A_139 : vector<16xf32>
        %lt3A_141 = arith.constant 0 : i32
        %lt3A_142 = vector.broadcast %lt3A_141 : i32 to vector<16xi32>
        %lt3A_143 = arith.cmpi slt, %xor3A_12, %lt3A_142 : vector<16xi32>
        %add3A_144 = arith.constant 16 : i32
        %add3A_145 = vector.broadcast %add3A_144 : i32 to vector<16xi32>
        %add3A_146 = arith.addi %xor3A_12, %add3A_145 : vector<16xi32>
        %select_n3A_147 = arith.select %lt3A_143, %add3A_146, %xor3A_12 : vector<16xi1>, vector<16xi32>
        %broadcast_in_dim3A_148 = vector.shape_cast %select_n3A_147 : vector<16xi32> to vector<16x1xi32>
        %gather3A_149 = vector.shape_cast %broadcast_in_dim3A_148 : vector<16x1xi32> to vector<16xi32>
        %gather3A_150 = tpu.dynamic_gather %add3A_140[%gather3A_149] in [0] : vector<16xf32>, vector<16xi32> -> vector<16xf32>
        %add3A_151 = arith.addf %add3A_140, %gather3A_150 : vector<16xf32>
        %lt3A_152 = arith.constant 0 : i32
        %lt3A_153 = vector.broadcast %lt3A_152 : i32 to vector<16xi32>
        %lt3A_154 = arith.cmpi slt, %xor3A_15, %lt3A_153 : vector<16xi32>
        %add3A_155 = arith.constant 16 : i32
        %add3A_156 = vector.broadcast %add3A_155 : i32 to vector<16xi32>
        %add3A_157 = arith.addi %xor3A_15, %add3A_156 : vector<16xi32>
        %select_n3A_158 = arith.select %lt3A_154, %add3A_157, %xor3A_15 : vector<16xi1>, vector<16xi32>
        %broadcast_in_dim3A_159 = vector.shape_cast %select_n3A_158 : vector<16xi32> to vector<16x1xi32>
        %gather3A_160 = vector.shape_cast %broadcast_in_dim3A_159 : vector<16x1xi32> to vector<16xi32>
        %gather3A_161 = tpu.dynamic_gather %add3A_151[%gather3A_160] in [0] : vector<16xf32>, vector<16xi32> -> vector<16xf32>
        %add3A_162 = arith.addf %add3A_151, %gather3A_161 : vector<16xf32>
        %mul3A_163 = arith.constant 2.500000e-01 : f32
        %mul3A_164 = vector.broadcast %mul3A_163 : f32 to vector<16xf32>
        %mul3A_165 = arith.mulf %add3A_162, %mul3A_164 : vector<16xf32>
        %exp3A = math.exp %mul3A_165 : vector<16xf32>
        %get3A_166 = arith.index_cast %scan3A_111 : i32 to index
        %get3A_167 = arith.constant 128 : index
        %get3A_168 = tpu.vector_load %arg11[%get3A_166, %get3A_167] {strides = array<i32>} : memref<40x256xf32, #tpu.memory_space<vmem>>, vector<1x16xf32>,
        %get3A_169 = vector.shape_cast %get3A_168 : vector<1x16xf32> to vector<16xf32>
        %mul3A_170 = arith.mulf %exp3A, %get3A_169 : vector<16xf32>
        %swap3A = arith.index_cast %scan3A_111 : i32 to index
        %swap3A_171 = arith.constant 0 : index
        %swap3A_172 = tpu.vector_load %arg14[%swap3A, %swap3A_171] {strides = array<i32>} : memref<40x144xf32, #tpu.memory_space<vmem>>, vector<1x16xf32>,
        %swap3A_173 = vector.shape_cast %swap3A_172 : vector<1x16xf32> to vector<16xf32>
        %swap3A_174 = vector.shape_cast %mul3A_170 : vector<16xf32> to vector<1x16xf32>
        tpu.vector_store %arg14[%swap3A, %swap3A_171], %swap3A_174 {strides = array<i32>} : memref<40x144xf32, #tpu.memory_space<vmem>>, vector<1x16xf32>,
        %eq3A_175 = arith.constant 0 : i32
        %eq3A_176 = vector.broadcast %eq3A_175 : i32 to vector<16xi32>
        %eq3A_177 = arith.cmpi eq, %iota3A, %eq3A_176 : vector<16xi32>
        %jit3A = arith.constant 0.000000e+00 : f32
        %broadcast_in_dim3A_178 = vector.broadcast %jit3A : f32 to vector<16xf32>
        %select_n3A_179 = arith.select %eq3A_177, %exp3A, %broadcast_in_dim3A_178 : vector<16xi1>, vector<16xf32>
        %add3A_180 = arith.addf %broadcast_in_dim3A_112, %select_n3A_179 : vector<16xf32>
        %get3A_181 = arith.index_cast %scan3A_111 : i32 to index
        %get3A_182 = arith.constant 16 : index
        %get3A_183 = tpu.vector_load %arg10[%get3A_181, %get3A_182] {strides = array<i32>} : memref<40x128xf32, #tpu.memory_space<vmem>>, vector<1x16xf32>,
        %get3A_184 = vector.shape_cast %get3A_183 : vector<1x16xf32> to vector<16xf32>
        %get3A_185 = arith.index_cast %scan3A_111 : i32 to index
        %get3A_186 = arith.constant 16 : index
        %get3A_187 = tpu.vector_load %arg11[%get3A_185, %get3A_186] {strides = array<i32>} : memref<40x256xf32, #tpu.memory_space<vmem>>, vector<1x16xf32>,
        %get3A_188 = vector.shape_cast %get3A_187 : vector<1x16xf32> to vector<16xf32>
        %mul3A_189 = arith.mulf %get3A_184, %get3A_188 : vector<16xf32>
        %lt3A_190 = arith.constant 0 : i32
        %lt3A_191 = vector.broadcast %lt3A_190 : i32 to vector<16xi32>
        %lt3A_192 = arith.cmpi slt, %xor3A_6, %lt3A_191 : vector<16xi32>
        %add3A_193 = arith.constant 16 : i32
        %add3A_194 = vector.broadcast %add3A_193 : i32 to vector<16xi32>
        %add3A_195 = arith.addi %xor3A_6, %add3A_194 : vector<16xi32>
        %select_n3A_196 = arith.select %lt3A_192, %add3A_195, %xor3A_6 : vector<16xi1>, vector<16xi32>
        %broadcast_in_dim3A_197 = vector.shape_cast %select_n3A_196 : vector<16xi32> to vector<16x1xi32>
        %gather3A_198 = vector.shape_cast %broadcast_in_dim3A_197 : vector<16x1xi32> to vector<16xi32>
        %gather3A_199 = tpu.dynamic_gather %mul3A_189[%gather3A_198] in [0] : vector<16xf32>, vector<16xi32> -> vector<16xf32>
        %add3A_200 = arith.addf %mul3A_189, %gather3A_199 : vector<16xf32>
        %lt3A_201 = arith.constant 0 : i32
        %lt3A_202 = vector.broadcast %lt3A_201 : i32 to vector<16xi32>
        %lt3A_203 = arith.cmpi slt, %xor3A_9, %lt3A_202 : vector<16xi32>
        %add3A_204 = arith.constant 16 : i32
        %add3A_205 = vector.broadcast %add3A_204 : i32 to vector<16xi32>
        %add3A_206 = arith.addi %xor3A_9, %add3A_205 : vector<16xi32>
        %select_n3A_207 = arith.select %lt3A_203, %add3A_206, %xor3A_9 : vector<16xi1>, vector<16xi32>
        %broadcast_in_dim3A_208 = vector.shape_cast %select_n3A_207 : vector<16xi32> to vector<16x1xi32>
        %gather3A_209 = vector.shape_cast %broadcast_in_dim3A_208 : vector<16x1xi32> to vector<16xi32>
        %gather3A_210 = tpu.dynamic_gather %add3A_200[%gather3A_209] in [0] : vector<16xf32>, vector<16xi32> -> vector<16xf32>
        %add3A_211 = arith.addf %add3A_200, %gather3A_210 : vector<16xf32>
        %lt3A_212 = arith.constant 0 : i32
        %lt3A_213 = vector.broadcast %lt3A_212 : i32 to vector<16xi32>
        %lt3A_214 = arith.cmpi slt, %xor3A_12, %lt3A_213 : vector<16xi32>
        %add3A_215 = arith.constant 16 : i32
        %add3A_216 = vector.broadcast %add3A_215 : i32 to vector<16xi32>
        %add3A_217 = arith.addi %xor3A_12, %add3A_216 : vector<16xi32>
        %select_n3A_218 = arith.select %lt3A_214, %add3A_217, %xor3A_12 : vector<16xi1>, vector<16xi32>
        %broadcast_in_dim3A_219 = vector.shape_cast %select_n3A_218 : vector<16xi32> to vector<16x1xi32>
        %gather3A_220 = vector.shape_cast %broadcast_in_dim3A_219 : vector<16x1xi32> to vector<16xi32>
        %gather3A_221 = tpu.dynamic_gather %add3A_211[%gather3A_220] in [0] : vector<16xf32>, vector<16xi32> -> vector<16xf32>
        %add3A_222 = arith.addf %add3A_211, %gather3A_221 : vector<16xf32>
        %lt3A_223 = arith.constant 0 : i32
        %lt3A_224 = vector.broadcast %lt3A_223 : i32 to vector<16xi32>
        %lt3A_225 = arith.cmpi slt, %xor3A_15, %lt3A_224 : vector<16xi32>
        %add3A_226 = arith.constant 16 : i32
        %add3A_227 = vector.broadcast %add3A_226 : i32 to vector<16xi32>
        %add3A_228 = arith.addi %xor3A_15, %add3A_227 : vector<16xi32>
        %select_n3A_229 = arith.select %lt3A_225, %add3A_228, %xor3A_15 : vector<16xi1>, vector<16xi32>
        %broadcast_in_dim3A_230 = vector.shape_cast %select_n3A_229 : vector<16xi32> to vector<16x1xi32>
        %gather3A_231 = vector.shape_cast %broadcast_in_dim3A_230 : vector<16x1xi32> to vector<16xi32>
        %gather3A_232 = tpu.dynamic_gather %add3A_222[%gather3A_231] in [0] : vector<16xf32>, vector<16xi32> -> vector<16xf32>
        %add3A_233 = arith.addf %add3A_222, %gather3A_232 : vector<16xf32>
        %mul3A_234 = arith.constant 2.500000e-01 : f32
        %mul3A_235 = vector.broadcast %mul3A_234 : f32 to vector<16xf32>
        %mul3A_236 = arith.mulf %add3A_233, %mul3A_235 : vector<16xf32>
        %exp3A_237 = math.exp %mul3A_236 : vector<16xf32>
        %get3A_238 = arith.index_cast %scan3A_111 : i32 to index
        %get3A_239 = arith.constant 144 : index
        %get3A_240 = tpu.vector_load %arg11[%get3A_238, %get3A_239] {strides = array<i32>} : memref<40x256xf32, #tpu.memory_space<vmem>>, vector<1x16xf32>,
        %get3A_241 = vector.shape_cast %get3A_240 : vector<1x16xf32> to vector<16xf32>
        %mul3A_242 = arith.mulf %exp3A_237, %get3A_241 : vector<16xf32>
        %swap3A_243 = arith.index_cast %scan3A_111 : i32 to index
        %swap3A_244 = arith.constant 16 : index
        %swap3A_245 = tpu.vector_load %arg14[%swap3A_243, %swap3A_244] {strides = array<i32>} : memref<40x144xf32, #tpu.memory_space<vmem>>, vector<1x16xf32>,
        %swap3A_246 = vector.shape_cast %swap3A_245 : vector<1x16xf32> to vector<16xf32>
        %swap3A_247 = vector.shape_cast %mul3A_242 : vector<16xf32> to vector<1x16xf32>
        tpu.vector_store %arg14[%swap3A_243, %swap3A_244], %swap3A_247 {strides = array<i32>} : memref<40x144xf32, #tpu.memory_space<vmem>>, vector<1x16xf32>,
        %eq3A_248 = arith.constant 1 : i32
        %eq3A_249 = vector.broadcast %eq3A_248 : i32 to vector<16xi32>
        %eq3A_250 = arith.cmpi eq, %iota3A, %eq3A_249 : vector<16xi32>
        %jit3A_251 = arith.constant 0.000000e+00 : f32
        %broadcast_in_dim3A_252 = vector.broadcast %jit3A_251 : f32 to vector<16xf32>
        %select_n3A_253 = arith.select %eq3A_250, %exp3A_237, %broadcast_in_dim3A_252 : vector<16xi1>, vector<16xf32>
        %add3A_254 = arith.addf %add3A_180, %select_n3A_253 : vector<16xf32>
        %get3A_255 = arith.index_cast %scan3A_111 : i32 to index
        %get3A_256 = arith.constant 32 : index
        %get3A_257 = tpu.vector_load %arg10[%get3A_255, %get3A_256] {strides = array<i32>} : memref<40x128xf32, #tpu.memory_space<vmem>>, vector<1x16xf32>,
        %get3A_258 = vector.shape_cast %get3A_257 : vector<1x16xf32> to vector<16xf32>
        %get3A_259 = arith.index_cast %scan3A_111 : i32 to index
        %get3A_260 = arith.constant 32 : index
        %get3A_261 = tpu.vector_load %arg11[%get3A_259, %get3A_260] {strides = array<i32>} : memref<40x256xf32, #tpu.memory_space<vmem>>, vector<1x16xf32>,
        %get3A_262 = vector.shape_cast %get3A_261 : vector<1x16xf32> to vector<16xf32>
        %mul3A_263 = arith.mulf %get3A_258, %get3A_262 : vector<16xf32>
        %lt3A_264 = arith.constant 0 : i32
        %lt3A_265 = vector.broadcast %lt3A_264 : i32 to vector<16xi32>
        %lt3A_266 = arith.cmpi slt, %xor3A_6, %lt3A_265 : vector<16xi32>
        %add3A_267 = arith.constant 16 : i32
        %add3A_268 = vector.broadcast %add3A_267 : i32 to vector<16xi32>
        %add3A_269 = arith.addi %xor3A_6, %add3A_268 : vector<16xi32>
        %select_n3A_270 = arith.select %lt3A_266, %add3A_269, %xor3A_6 : vector<16xi1>, vector<16xi32>
        %broadcast_in_dim3A_271 = vector.shape_cast %select_n3A_270 : vector<16xi32> to vector<16x1xi32>
        %gather3A_272 = vector.shape_cast %broadcast_in_dim3A_271 : vector<16x1xi32> to vector<16xi32>
        %gather3A_273 = tpu.dynamic_gather %mul3A_263[%gather3A_272] in [0] : vector<16xf32>, vector<16xi32> -> vector<16xf32>
        %add3A_274 = arith.addf %mul3A_263, %gather3A_273 : vector<16xf32>
        %lt3A_275 = arith.constant 0 : i32
        %lt3A_276 = vector.broadcast %lt3A_275 : i32 to vector<16xi32>
        %lt3A_277 = arith.cmpi slt, %xor3A_9, %lt3A_276 : vector<16xi32>
        %add3A_278 = arith.constant 16 : i32
        %add3A_279 = vector.broadcast %add3A_278 : i32 to vector<16xi32>
        %add3A_280 = arith.addi %xor3A_9, %add3A_279 : vector<16xi32>
        %select_n3A_281 = arith.select %lt3A_277, %add3A_280, %xor3A_9 : vector<16xi1>, vector<16xi32>
        %broadcast_in_dim3A_282 = vector.shape_cast %select_n3A_281 : vector<16xi32> to vector<16x1xi32>
        %gather3A_283 = vector.shape_cast %broadcast_in_dim3A_282 : vector<16x1xi32> to vector<16xi32>
        %gather3A_284 = tpu.dynamic_gather %add3A_274[%gather3A_283] in [0] : vector<16xf32>, vector<16xi32> -> vector<16xf32>
        %add3A_285 = arith.addf %add3A_274, %gather3A_284 : vector<16xf32>
        %lt3A_286 = arith.constant 0 : i32
        %lt3A_287 = vector.broadcast %lt3A_286 : i32 to vector<16xi32>
        %lt3A_288 = arith.cmpi slt, %xor3A_12, %lt3A_287 : vector<16xi32>
        %add3A_289 = arith.constant 16 : i32
        %add3A_290 = vector.broadcast %add3A_289 : i32 to vector<16xi32>
        %add3A_291 = arith.addi %xor3A_12, %add3A_290 : vector<16xi32>
        %select_n3A_292 = arith.select %lt3A_288, %add3A_291, %xor3A_12 : vector<16xi1>, vector<16xi32>
        %broadcast_in_dim3A_293 = vector.shape_cast %select_n3A_292 : vector<16xi32> to vector<16x1xi32>
        %gather3A_294 = vector.shape_cast %broadcast_in_dim3A_293 : vector<16x1xi32> to vector<16xi32>
        %gather3A_295 = tpu.dynamic_gather %add3A_285[%gather3A_294] in [0] : vector<16xf32>, vector<16xi32> -> vector<16xf32>
        %add3A_296 = arith.addf %add3A_285, %gather3A_295 : vector<16xf32>
        %lt3A_297 = arith.constant 0 : i32
        %lt3A_298 = vector.broadcast %lt3A_297 : i32 to vector<16xi32>
        %lt3A_299 = arith.cmpi slt, %xor3A_15, %lt3A_298 : vector<16xi32>
        %add3A_300 = arith.constant 16 : i32
        %add3A_301 = vector.broadcast %add3A_300 : i32 to vector<16xi32>
        %add3A_302 = arith.addi %xor3A_15, %add3A_301 : vector<16xi32>
        %select_n3A_303 = arith.select %lt3A_299, %add3A_302, %xor3A_15 : vector<16xi1>, vector<16xi32>
        %broadcast_in_dim3A_304 = vector.shape_cast %select_n3A_303 : vector<16xi32> to vector<16x1xi32>
        %gather3A_305 = vector.shape_cast %broadcast_in_dim3A_304 : vector<16x1xi32> to vector<16xi32>
        %gather3A_306 = tpu.dynamic_gather %add3A_296[%gather3A_305] in [0] : vector<16xf32>, vector<16xi32> -> vector<16xf32>
        %add3A_307 = arith.addf %add3A_296, %gather3A_306 : vector<16xf32>
        %mul3A_308 = arith.constant 2.500000e-01 : f32
        %mul3A_309 = vector.broadcast %mul3A_308 : f32 to vector<16xf32>
        %mul3A_310 = arith.mulf %add3A_307, %mul3A_309 : vector<16xf32>
        %exp3A_311 = math.exp %mul3A_310 : vector<16xf32>
        %get3A_312 = arith.index_cast %scan3A_111 : i32 to index
        %get3A_313 = arith.constant 160 : index
        %get3A_314 = tpu.vector_load %arg11[%get3A_312, %get3A_313] {strides = array<i32>} : memref<40x256xf32, #tpu.memory_space<vmem>>, vector<1x16xf32>,
        %get3A_315 = vector.shape_cast %get3A_314 : vector<1x16xf32> to vector<16xf32>
        %mul3A_316 = arith.mulf %exp3A_311, %get3A_315 : vector<16xf32>
        %swap3A_317 = arith.index_cast %scan3A_111 : i32 to index
        %swap3A_318 = arith.constant 32 : index
        %swap3A_319 = tpu.vector_load %arg14[%swap3A_317, %swap3A_318] {strides = array<i32>} : memref<40x144xf32, #tpu.memory_space<vmem>>, vector<1x16xf32>,
        %swap3A_320 = vector.shape_cast %swap3A_319 : vector<1x16xf32> to vector<16xf32>
        %swap3A_321 = vector.shape_cast %mul3A_316 : vector<16xf32> to vector<1x16xf32>
        tpu.vector_store %arg14[%swap3A_317, %swap3A_318], %swap3A_321 {strides = array<i32>} : memref<40x144xf32, #tpu.memory_space<vmem>>, vector<1x16xf32>,
        %eq3A_322 = arith.constant 2 : i32
        %eq3A_323 = vector.broadcast %eq3A_322 : i32 to vector<16xi32>
        %eq3A_324 = arith.cmpi eq, %iota3A, %eq3A_323 : vector<16xi32>
        %jit3A_325 = arith.constant 0.000000e+00 : f32
        %broadcast_in_dim3A_326 = vector.broadcast %jit3A_325 : f32 to vector<16xf32>
        %select_n3A_327 = arith.select %eq3A_324, %exp3A_311, %broadcast_in_dim3A_326 : vector<16xi1>, vector<16xf32>
        %add3A_328 = arith.addf %add3A_254, %select_n3A_327 : vector<16xf32>
        %get3A_329 = arith.index_cast %scan3A_111 : i32 to index
        %get3A_330 = arith.constant 48 : index
        %get3A_331 = tpu.vector_load %arg10[%get3A_329, %get3A_330] {strides = array<i32>} : memref<40x128xf32, #tpu.memory_space<vmem>>, vector<1x16xf32>,
        %get3A_332 = vector.shape_cast %get3A_331 : vector<1x16xf32> to vector<16xf32>
        %get3A_333 = arith.index_cast %scan3A_111 : i32 to index
        %get3A_334 = arith.constant 48 : index
        %get3A_335 = tpu.vector_load %arg11[%get3A_333, %get3A_334] {strides = array<i32>} : memref<40x256xf32, #tpu.memory_space<vmem>>, vector<1x16xf32>,
        %get3A_336 = vector.shape_cast %get3A_335 : vector<1x16xf32> to vector<16xf32>
        %mul3A_337 = arith.mulf %get3A_332, %get3A_336 : vector<16xf32>
        %lt3A_338 = arith.constant 0 : i32
        %lt3A_339 = vector.broadcast %lt3A_338 : i32 to vector<16xi32>
        %lt3A_340 = arith.cmpi slt, %xor3A_6, %lt3A_339 : vector<16xi32>
        %add3A_341 = arith.constant 16 : i32
        %add3A_342 = vector.broadcast %add3A_341 : i32 to vector<16xi32>
        %add3A_343 = arith.addi %xor3A_6, %add3A_342 : vector<16xi32>
        %select_n3A_344 = arith.select %lt3A_340, %add3A_343, %xor3A_6 : vector<16xi1>, vector<16xi32>
        %broadcast_in_dim3A_345 = vector.shape_cast %select_n3A_344 : vector<16xi32> to vector<16x1xi32>
        %gather3A_346 = vector.shape_cast %broadcast_in_dim3A_345 : vector<16x1xi32> to vector<16xi32>
        %gather3A_347 = tpu.dynamic_gather %mul3A_337[%gather3A_346] in [0] : vector<16xf32>, vector<16xi32> -> vector<16xf32>
        %add3A_348 = arith.addf %mul3A_337, %gather3A_347 : vector<16xf32>
        %lt3A_349 = arith.constant 0 : i32
        %lt3A_350 = vector.broadcast %lt3A_349 : i32 to vector<16xi32>
        %lt3A_351 = arith.cmpi slt, %xor3A_9, %lt3A_350 : vector<16xi32>
        %add3A_352 = arith.constant 16 : i32
        %add3A_353 = vector.broadcast %add3A_352 : i32 to vector<16xi32>
        %add3A_354 = arith.addi %xor3A_9, %add3A_353 : vector<16xi32>
        %select_n3A_355 = arith.select %lt3A_351, %add3A_354, %xor3A_9 : vector<16xi1>, vector<16xi32>
        %broadcast_in_dim3A_356 = vector.shape_cast %select_n3A_355 : vector<16xi32> to vector<16x1xi32>
        %gather3A_357 = vector.shape_cast %broadcast_in_dim3A_356 : vector<16x1xi32> to vector<16xi32>
        %gather3A_358 = tpu.dynamic_gather %add3A_348[%gather3A_357] in [0] : vector<16xf32>, vector<16xi32> -> vector<16xf32>
        %add3A_359 = arith.addf %add3A_348, %gather3A_358 : vector<16xf32>
        %lt3A_360 = arith.constant 0 : i32
        %lt3A_361 = vector.broadcast %lt3A_360 : i32 to vector<16xi32>
        %lt3A_362 = arith.cmpi slt, %xor3A_12, %lt3A_361 : vector<16xi32>
        %add3A_363 = arith.constant 16 : i32
        %add3A_364 = vector.broadcast %add3A_363 : i32 to vector<16xi32>
        %add3A_365 = arith.addi %xor3A_12, %add3A_364 : vector<16xi32>
        %select_n3A_366 = arith.select %lt3A_362, %add3A_365, %xor3A_12 : vector<16xi1>, vector<16xi32>
        %broadcast_in_dim3A_367 = vector.shape_cast %select_n3A_366 : vector<16xi32> to vector<16x1xi32>
        %gather3A_368 = vector.shape_cast %broadcast_in_dim3A_367 : vector<16x1xi32> to vector<16xi32>
        %gather3A_369 = tpu.dynamic_gather %add3A_359[%gather3A_368] in [0] : vector<16xf32>, vector<16xi32> -> vector<16xf32>
        %add3A_370 = arith.addf %add3A_359, %gather3A_369 : vector<16xf32>
        %lt3A_371 = arith.constant 0 : i32
        %lt3A_372 = vector.broadcast %lt3A_371 : i32 to vector<16xi32>
        %lt3A_373 = arith.cmpi slt, %xor3A_15, %lt3A_372 : vector<16xi32>
        %add3A_374 = arith.constant 16 : i32
        %add3A_375 = vector.broadcast %add3A_374 : i32 to vector<16xi32>
        %add3A_376 = arith.addi %xor3A_15, %add3A_375 : vector<16xi32>
        %select_n3A_377 = arith.select %lt3A_373, %add3A_376, %xor3A_15 : vector<16xi1>, vector<16xi32>
        %broadcast_in_dim3A_378 = vector.shape_cast %select_n3A_377 : vector<16xi32> to vector<16x1xi32>
        %gather3A_379 = vector.shape_cast %broadcast_in_dim3A_378 : vector<16x1xi32> to vector<16xi32>
        %gather3A_380 = tpu.dynamic_gather %add3A_370[%gather3A_379] in [0] : vector<16xf32>, vector<16xi32> -> vector<16xf32>
        %add3A_381 = arith.addf %add3A_370, %gather3A_380 : vector<16xf32>
        %mul3A_382 = arith.constant 2.500000e-01 : f32
        %mul3A_383 = vector.broadcast %mul3A_382 : f32 to vector<16xf32>
        %mul3A_384 = arith.mulf %add3A_381, %mul3A_383 : vector<16xf32>
        %exp3A_385 = math.exp %mul3A_384 : vector<16xf32>
        %get3A_386 = arith.index_cast %scan3A_111 : i32 to index
        %get3A_387 = arith.constant 176 : index
        %get3A_388 = tpu.vector_load %arg11[%get3A_386, %get3A_387] {strides = array<i32>} : memref<40x256xf32, #tpu.memory_space<vmem>>, vector<1x16xf32>,
        %get3A_389 = vector.shape_cast %get3A_388 : vector<1x16xf32> to vector<16xf32>
        %mul3A_390 = arith.mulf %exp3A_385, %get3A_389 : vector<16xf32>
        %swap3A_391 = arith.index_cast %scan3A_111 : i32 to index
        %swap3A_392 = arith.constant 48 : index
        %swap3A_393 = tpu.vector_load %arg14[%swap3A_391, %swap3A_392] {strides = array<i32>} : memref<40x144xf32, #tpu.memory_space<vmem>>, vector<1x16xf32>,
        %swap3A_394 = vector.shape_cast %swap3A_393 : vector<1x16xf32> to vector<16xf32>
        %swap3A_395 = vector.shape_cast %mul3A_390 : vector<16xf32> to vector<1x16xf32>
        tpu.vector_store %arg14[%swap3A_391, %swap3A_392], %swap3A_395 {strides = array<i32>} : memref<40x144xf32, #tpu.memory_space<vmem>>, vector<1x16xf32>,
        %eq3A_396 = arith.constant 3 : i32
        %eq3A_397 = vector.broadcast %eq3A_396 : i32 to vector<16xi32>
        %eq3A_398 = arith.cmpi eq, %iota3A, %eq3A_397 : vector<16xi32>
        %jit3A_399 = arith.constant 0.000000e+00 : f32
        %broadcast_in_dim3A_400 = vector.broadcast %jit3A_399 : f32 to vector<16xf32>
        %select_n3A_401 = arith.select %eq3A_398, %exp3A_385, %broadcast_in_dim3A_400 : vector<16xi1>, vector<16xf32>
        %add3A_402 = arith.addf %add3A_328, %select_n3A_401 : vector<16xf32>
        %get3A_403 = arith.index_cast %scan3A_111 : i32 to index
        %get3A_404 = arith.constant 64 : index
        %get3A_405 = tpu.vector_load %arg10[%get3A_403, %get3A_404] {strides = array<i32>} : memref<40x128xf32, #tpu.memory_space<vmem>>, vector<1x16xf32>,
        %get3A_406 = vector.shape_cast %get3A_405 : vector<1x16xf32> to vector<16xf32>
        %get3A_407 = arith.index_cast %scan3A_111 : i32 to index
        %get3A_408 = arith.constant 64 : index
        %get3A_409 = tpu.vector_load %arg11[%get3A_407, %get3A_408] {strides = array<i32>} : memref<40x256xf32, #tpu.memory_space<vmem>>, vector<1x16xf32>,
        %get3A_410 = vector.shape_cast %get3A_409 : vector<1x16xf32> to vector<16xf32>
        %mul3A_411 = arith.mulf %get3A_406, %get3A_410 : vector<16xf32>
        %lt3A_412 = arith.constant 0 : i32
        %lt3A_413 = vector.broadcast %lt3A_412 : i32 to vector<16xi32>
        %lt3A_414 = arith.cmpi slt, %xor3A_6, %lt3A_413 : vector<16xi32>
        %add3A_415 = arith.constant 16 : i32
        %add3A_416 = vector.broadcast %add3A_415 : i32 to vector<16xi32>
        %add3A_417 = arith.addi %xor3A_6, %add3A_416 : vector<16xi32>
        %select_n3A_418 = arith.select %lt3A_414, %add3A_417, %xor3A_6 : vector<16xi1>, vector<16xi32>
        %broadcast_in_dim3A_419 = vector.shape_cast %select_n3A_418 : vector<16xi32> to vector<16x1xi32>
        %gather3A_420 = vector.shape_cast %broadcast_in_dim3A_419 : vector<16x1xi32> to vector<16xi32>
        %gather3A_421 = tpu.dynamic_gather %mul3A_411[%gather3A_420] in [0] : vector<16xf32>, vector<16xi32> -> vector<16xf32>
        %add3A_422 = arith.addf %mul3A_411, %gather3A_421 : vector<16xf32>
        %lt3A_423 = arith.constant 0 : i32
        %lt3A_424 = vector.broadcast %lt3A_423 : i32 to vector<16xi32>
        %lt3A_425 = arith.cmpi slt, %xor3A_9, %lt3A_424 : vector<16xi32>
        %add3A_426 = arith.constant 16 : i32
        %add3A_427 = vector.broadcast %add3A_426 : i32 to vector<16xi32>
        %add3A_428 = arith.addi %xor3A_9, %add3A_427 : vector<16xi32>
        %select_n3A_429 = arith.select %lt3A_425, %add3A_428, %xor3A_9 : vector<16xi1>, vector<16xi32>
        %broadcast_in_dim3A_430 = vector.shape_cast %select_n3A_429 : vector<16xi32> to vector<16x1xi32>
        %gather3A_431 = vector.shape_cast %broadcast_in_dim3A_430 : vector<16x1xi32> to vector<16xi32>
        %gather3A_432 = tpu.dynamic_gather %add3A_422[%gather3A_431] in [0] : vector<16xf32>, vector<16xi32> -> vector<16xf32>
        %add3A_433 = arith.addf %add3A_422, %gather3A_432 : vector<16xf32>
        %lt3A_434 = arith.constant 0 : i32
        %lt3A_435 = vector.broadcast %lt3A_434 : i32 to vector<16xi32>
        %lt3A_436 = arith.cmpi slt, %xor3A_12, %lt3A_435 : vector<16xi32>
        %add3A_437 = arith.constant 16 : i32
        %add3A_438 = vector.broadcast %add3A_437 : i32 to vector<16xi32>
        %add3A_439 = arith.addi %xor3A_12, %add3A_438 : vector<16xi32>
        %select_n3A_440 = arith.select %lt3A_436, %add3A_439, %xor3A_12 : vector<16xi1>, vector<16xi32>
        %broadcast_in_dim3A_441 = vector.shape_cast %select_n3A_440 : vector<16xi32> to vector<16x1xi32>
        %gather3A_442 = vector.shape_cast %broadcast_in_dim3A_441 : vector<16x1xi32> to vector<16xi32>
        %gather3A_443 = tpu.dynamic_gather %add3A_433[%gather3A_442] in [0] : vector<16xf32>, vector<16xi32> -> vector<16xf32>
        %add3A_444 = arith.addf %add3A_433, %gather3A_443 : vector<16xf32>
        %lt3A_445 = arith.constant 0 : i32
        %lt3A_446 = vector.broadcast %lt3A_445 : i32 to vector<16xi32>
        %lt3A_447 = arith.cmpi slt, %xor3A_15, %lt3A_446 : vector<16xi32>
        %add3A_448 = arith.constant 16 : i32
        %add3A_449 = vector.broadcast %add3A_448 : i32 to vector<16xi32>
        %add3A_450 = arith.addi %xor3A_15, %add3A_449 : vector<16xi32>
        %select_n3A_451 = arith.select %lt3A_447, %add3A_450, %xor3A_15 : vector<16xi1>, vector<16xi32>
        %broadcast_in_dim3A_452 = vector.shape_cast %select_n3A_451 : vector<16xi32> to vector<16x1xi32>
        %gather3A_453 = vector.shape_cast %broadcast_in_dim3A_452 : vector<16x1xi32> to vector<16xi32>
        %gather3A_454 = tpu.dynamic_gather %add3A_444[%gather3A_453] in [0] : vector<16xf32>, vector<16xi32> -> vector<16xf32>
        %add3A_455 = arith.addf %add3A_444, %gather3A_454 : vector<16xf32>
        %mul3A_456 = arith.constant 2.500000e-01 : f32
        %mul3A_457 = vector.broadcast %mul3A_456 : f32 to vector<16xf32>
        %mul3A_458 = arith.mulf %add3A_455, %mul3A_457 : vector<16xf32>
        %exp3A_459 = math.exp %mul3A_458 : vector<16xf32>
        %get3A_460 = arith.index_cast %scan3A_111 : i32 to index
        %get3A_461 = arith.constant 192 : index
        %get3A_462 = tpu.vector_load %arg11[%get3A_460, %get3A_461] {strides = array<i32>} : memref<40x256xf32, #tpu.memory_space<vmem>>, vector<1x16xf32>,
        %get3A_463 = vector.shape_cast %get3A_462 : vector<1x16xf32> to vector<16xf32>
        %mul3A_464 = arith.mulf %exp3A_459, %get3A_463 : vector<16xf32>
        %swap3A_465 = arith.index_cast %scan3A_111 : i32 to index
        %swap3A_466 = arith.constant 64 : index
        %swap3A_467 = tpu.vector_load %arg14[%swap3A_465, %swap3A_466] {strides = array<i32>} : memref<40x144xf32, #tpu.memory_space<vmem>>, vector<1x16xf32>,
        %swap3A_468 = vector.shape_cast %swap3A_467 : vector<1x16xf32> to vector<16xf32>
        %swap3A_469 = vector.shape_cast %mul3A_464 : vector<16xf32> to vector<1x16xf32>
        tpu.vector_store %arg14[%swap3A_465, %swap3A_466], %swap3A_469 {strides = array<i32>} : memref<40x144xf32, #tpu.memory_space<vmem>>, vector<1x16xf32>,
        %eq3A_470 = arith.constant 4 : i32
        %eq3A_471 = vector.broadcast %eq3A_470 : i32 to vector<16xi32>
        %eq3A_472 = arith.cmpi eq, %iota3A, %eq3A_471 : vector<16xi32>
        %jit3A_473 = arith.constant 0.000000e+00 : f32
        %broadcast_in_dim3A_474 = vector.broadcast %jit3A_473 : f32 to vector<16xf32>
        %select_n3A_475 = arith.select %eq3A_472, %exp3A_459, %broadcast_in_dim3A_474 : vector<16xi1>, vector<16xf32>
        %add3A_476 = arith.addf %add3A_402, %select_n3A_475 : vector<16xf32>
        %get3A_477 = arith.index_cast %scan3A_111 : i32 to index
        %get3A_478 = arith.constant 80 : index
        %get3A_479 = tpu.vector_load %arg10[%get3A_477, %get3A_478] {strides = array<i32>} : memref<40x128xf32, #tpu.memory_space<vmem>>, vector<1x16xf32>,
        %get3A_480 = vector.shape_cast %get3A_479 : vector<1x16xf32> to vector<16xf32>
        %get3A_481 = arith.index_cast %scan3A_111 : i32 to index
        %get3A_482 = arith.constant 80 : index
        %get3A_483 = tpu.vector_load %arg11[%get3A_481, %get3A_482] {strides = array<i32>} : memref<40x256xf32, #tpu.memory_space<vmem>>, vector<1x16xf32>,
        %get3A_484 = vector.shape_cast %get3A_483 : vector<1x16xf32> to vector<16xf32>
        %mul3A_485 = arith.mulf %get3A_480, %get3A_484 : vector<16xf32>
        %lt3A_486 = arith.constant 0 : i32
        %lt3A_487 = vector.broadcast %lt3A_486 : i32 to vector<16xi32>
        %lt3A_488 = arith.cmpi slt, %xor3A_6, %lt3A_487 : vector<16xi32>
        %add3A_489 = arith.constant 16 : i32
        %add3A_490 = vector.broadcast %add3A_489 : i32 to vector<16xi32>
        %add3A_491 = arith.addi %xor3A_6, %add3A_490 : vector<16xi32>
        %select_n3A_492 = arith.select %lt3A_488, %add3A_491, %xor3A_6 : vector<16xi1>, vector<16xi32>
        %broadcast_in_dim3A_493 = vector.shape_cast %select_n3A_492 : vector<16xi32> to vector<16x1xi32>
        %gather3A_494 = vector.shape_cast %broadcast_in_dim3A_493 : vector<16x1xi32> to vector<16xi32>
        %gather3A_495 = tpu.dynamic_gather %mul3A_485[%gather3A_494] in [0] : vector<16xf32>, vector<16xi32> -> vector<16xf32>
        %add3A_496 = arith.addf %mul3A_485, %gather3A_495 : vector<16xf32>
        %lt3A_497 = arith.constant 0 : i32
        %lt3A_498 = vector.broadcast %lt3A_497 : i32 to vector<16xi32>
        %lt3A_499 = arith.cmpi slt, %xor3A_9, %lt3A_498 : vector<16xi32>
        %add3A_500 = arith.constant 16 : i32
        %add3A_501 = vector.broadcast %add3A_500 : i32 to vector<16xi32>
        %add3A_502 = arith.addi %xor3A_9, %add3A_501 : vector<16xi32>
        %select_n3A_503 = arith.select %lt3A_499, %add3A_502, %xor3A_9 : vector<16xi1>, vector<16xi32>
        %broadcast_in_dim3A_504 = vector.shape_cast %select_n3A_503 : vector<16xi32> to vector<16x1xi32>
        %gather3A_505 = vector.shape_cast %broadcast_in_dim3A_504 : vector<16x1xi32> to vector<16xi32>
        %gather3A_506 = tpu.dynamic_gather %add3A_496[%gather3A_505] in [0] : vector<16xf32>, vector<16xi32> -> vector<16xf32>
        %add3A_507 = arith.addf %add3A_496, %gather3A_506 : vector<16xf32>
        %lt3A_508 = arith.constant 0 : i32
        %lt3A_509 = vector.broadcast %lt3A_508 : i32 to vector<16xi32>
        %lt3A_510 = arith.cmpi slt, %xor3A_12, %lt3A_509 : vector<16xi32>
        %add3A_511 = arith.constant 16 : i32
        %add3A_512 = vector.broadcast %add3A_511 : i32 to vector<16xi32>
        %add3A_513 = arith.addi %xor3A_12, %add3A_512 : vector<16xi32>
        %select_n3A_514 = arith.select %lt3A_510, %add3A_513, %xor3A_12 : vector<16xi1>, vector<16xi32>
        %broadcast_in_dim3A_515 = vector.shape_cast %select_n3A_514 : vector<16xi32> to vector<16x1xi32>
        %gather3A_516 = vector.shape_cast %broadcast_in_dim3A_515 : vector<16x1xi32> to vector<16xi32>
        %gather3A_517 = tpu.dynamic_gather %add3A_507[%gather3A_516] in [0] : vector<16xf32>, vector<16xi32> -> vector<16xf32>
        %add3A_518 = arith.addf %add3A_507, %gather3A_517 : vector<16xf32>
        %lt3A_519 = arith.constant 0 : i32
        %lt3A_520 = vector.broadcast %lt3A_519 : i32 to vector<16xi32>
        %lt3A_521 = arith.cmpi slt, %xor3A_15, %lt3A_520 : vector<16xi32>
        %add3A_522 = arith.constant 16 : i32
        %add3A_523 = vector.broadcast %add3A_522 : i32 to vector<16xi32>
        %add3A_524 = arith.addi %xor3A_15, %add3A_523 : vector<16xi32>
        %select_n3A_525 = arith.select %lt3A_521, %add3A_524, %xor3A_15 : vector<16xi1>, vector<16xi32>
        %broadcast_in_dim3A_526 = vector.shape_cast %select_n3A_525 : vector<16xi32> to vector<16x1xi32>
        %gather3A_527 = vector.shape_cast %broadcast_in_dim3A_526 : vector<16x1xi32> to vector<16xi32>
        %gather3A_528 = tpu.dynamic_gather %add3A_518[%gather3A_527] in [0] : vector<16xf32>, vector<16xi32> -> vector<16xf32>
        %add3A_529 = arith.addf %add3A_518, %gather3A_528 : vector<16xf32>
        %mul3A_530 = arith.constant 2.500000e-01 : f32
        %mul3A_531 = vector.broadcast %mul3A_530 : f32 to vector<16xf32>
        %mul3A_532 = arith.mulf %add3A_529, %mul3A_531 : vector<16xf32>
        %exp3A_533 = math.exp %mul3A_532 : vector<16xf32>
        %get3A_534 = arith.index_cast %scan3A_111 : i32 to index
        %get3A_535 = arith.constant 208 : index
        %get3A_536 = tpu.vector_load %arg11[%get3A_534, %get3A_535] {strides = array<i32>} : memref<40x256xf32, #tpu.memory_space<vmem>>, vector<1x16xf32>,
        %get3A_537 = vector.shape_cast %get3A_536 : vector<1x16xf32> to vector<16xf32>
        %mul3A_538 = arith.mulf %exp3A_533, %get3A_537 : vector<16xf32>
        %swap3A_539 = arith.index_cast %scan3A_111 : i32 to index
        %swap3A_540 = arith.constant 80 : index
        %swap3A_541 = tpu.vector_load %arg14[%swap3A_539, %swap3A_540] {strides = array<i32>} : memref<40x144xf32, #tpu.memory_space<vmem>>, vector<1x16xf32>,
        %swap3A_542 = vector.shape_cast %swap3A_541 : vector<1x16xf32> to vector<16xf32>
        %swap3A_543 = vector.shape_cast %mul3A_538 : vector<16xf32> to vector<1x16xf32>
        tpu.vector_store %arg14[%swap3A_539, %swap3A_540], %swap3A_543 {strides = array<i32>} : memref<40x144xf32, #tpu.memory_space<vmem>>, vector<1x16xf32>,
        %eq3A_544 = arith.constant 5 : i32
        %eq3A_545 = vector.broadcast %eq3A_544 : i32 to vector<16xi32>
        %eq3A_546 = arith.cmpi eq, %iota3A, %eq3A_545 : vector<16xi32>
        %jit3A_547 = arith.constant 0.000000e+00 : f32
        %broadcast_in_dim3A_548 = vector.broadcast %jit3A_547 : f32 to vector<16xf32>
        %select_n3A_549 = arith.select %eq3A_546, %exp3A_533, %broadcast_in_dim3A_548 : vector<16xi1>, vector<16xf32>
        %add3A_550 = arith.addf %add3A_476, %select_n3A_549 : vector<16xf32>
        %get3A_551 = arith.index_cast %scan3A_111 : i32 to index
        %get3A_552 = arith.constant 96 : index
        %get3A_553 = tpu.vector_load %arg10[%get3A_551, %get3A_552] {strides = array<i32>} : memref<40x128xf32, #tpu.memory_space<vmem>>, vector<1x16xf32>,
        %get3A_554 = vector.shape_cast %get3A_553 : vector<1x16xf32> to vector<16xf32>
        %get3A_555 = arith.index_cast %scan3A_111 : i32 to index
        %get3A_556 = arith.constant 96 : index
        %get3A_557 = tpu.vector_load %arg11[%get3A_555, %get3A_556] {strides = array<i32>} : memref<40x256xf32, #tpu.memory_space<vmem>>, vector<1x16xf32>,
        %get3A_558 = vector.shape_cast %get3A_557 : vector<1x16xf32> to vector<16xf32>
        %mul3A_559 = arith.mulf %get3A_554, %get3A_558 : vector<16xf32>
        %lt3A_560 = arith.constant 0 : i32
        %lt3A_561 = vector.broadcast %lt3A_560 : i32 to vector<16xi32>
        %lt3A_562 = arith.cmpi slt, %xor3A_6, %lt3A_561 : vector<16xi32>
        %add3A_563 = arith.constant 16 : i32
        %add3A_564 = vector.broadcast %add3A_563 : i32 to vector<16xi32>
        %add3A_565 = arith.addi %xor3A_6, %add3A_564 : vector<16xi32>
        %select_n3A_566 = arith.select %lt3A_562, %add3A_565, %xor3A_6 : vector<16xi1>, vector<16xi32>
        %broadcast_in_dim3A_567 = vector.shape_cast %select_n3A_566 : vector<16xi32> to vector<16x1xi32>
        %gather3A_568 = vector.shape_cast %broadcast_in_dim3A_567 : vector<16x1xi32> to vector<16xi32>
        %gather3A_569 = tpu.dynamic_gather %mul3A_559[%gather3A_568] in [0] : vector<16xf32>, vector<16xi32> -> vector<16xf32>
        %add3A_570 = arith.addf %mul3A_559, %gather3A_569 : vector<16xf32>
        %lt3A_571 = arith.constant 0 : i32
        %lt3A_572 = vector.broadcast %lt3A_571 : i32 to vector<16xi32>
        %lt3A_573 = arith.cmpi slt, %xor3A_9, %lt3A_572 : vector<16xi32>
        %add3A_574 = arith.constant 16 : i32
        %add3A_575 = vector.broadcast %add3A_574 : i32 to vector<16xi32>
        %add3A_576 = arith.addi %xor3A_9, %add3A_575 : vector<16xi32>
        %select_n3A_577 = arith.select %lt3A_573, %add3A_576, %xor3A_9 : vector<16xi1>, vector<16xi32>
        %broadcast_in_dim3A_578 = vector.shape_cast %select_n3A_577 : vector<16xi32> to vector<16x1xi32>
        %gather3A_579 = vector.shape_cast %broadcast_in_dim3A_578 : vector<16x1xi32> to vector<16xi32>
        %gather3A_580 = tpu.dynamic_gather %add3A_570[%gather3A_579] in [0] : vector<16xf32>, vector<16xi32> -> vector<16xf32>
        %add3A_581 = arith.addf %add3A_570, %gather3A_580 : vector<16xf32>
        %lt3A_582 = arith.constant 0 : i32
        %lt3A_583 = vector.broadcast %lt3A_582 : i32 to vector<16xi32>
        %lt3A_584 = arith.cmpi slt, %xor3A_12, %lt3A_583 : vector<16xi32>
        %add3A_585 = arith.constant 16 : i32
        %add3A_586 = vector.broadcast %add3A_585 : i32 to vector<16xi32>
        %add3A_587 = arith.addi %xor3A_12, %add3A_586 : vector<16xi32>
        %select_n3A_588 = arith.select %lt3A_584, %add3A_587, %xor3A_12 : vector<16xi1>, vector<16xi32>
        %broadcast_in_dim3A_589 = vector.shape_cast %select_n3A_588 : vector<16xi32> to vector<16x1xi32>
        %gather3A_590 = vector.shape_cast %broadcast_in_dim3A_589 : vector<16x1xi32> to vector<16xi32>
        %gather3A_591 = tpu.dynamic_gather %add3A_581[%gather3A_590] in [0] : vector<16xf32>, vector<16xi32> -> vector<16xf32>
        %add3A_592 = arith.addf %add3A_581, %gather3A_591 : vector<16xf32>
        %lt3A_593 = arith.constant 0 : i32
        %lt3A_594 = vector.broadcast %lt3A_593 : i32 to vector<16xi32>
        %lt3A_595 = arith.cmpi slt, %xor3A_15, %lt3A_594 : vector<16xi32>
        %add3A_596 = arith.constant 16 : i32
        %add3A_597 = vector.broadcast %add3A_596 : i32 to vector<16xi32>
        %add3A_598 = arith.addi %xor3A_15, %add3A_597 : vector<16xi32>
        %select_n3A_599 = arith.select %lt3A_595, %add3A_598, %xor3A_15 : vector<16xi1>, vector<16xi32>
        %broadcast_in_dim3A_600 = vector.shape_cast %select_n3A_599 : vector<16xi32> to vector<16x1xi32>
        %gather3A_601 = vector.shape_cast %broadcast_in_dim3A_600 : vector<16x1xi32> to vector<16xi32>
        %gather3A_602 = tpu.dynamic_gather %add3A_592[%gather3A_601] in [0] : vector<16xf32>, vector<16xi32> -> vector<16xf32>
        %add3A_603 = arith.addf %add3A_592, %gather3A_602 : vector<16xf32>
        %mul3A_604 = arith.constant 2.500000e-01 : f32
        %mul3A_605 = vector.broadcast %mul3A_604 : f32 to vector<16xf32>
        %mul3A_606 = arith.mulf %add3A_603, %mul3A_605 : vector<16xf32>
        %exp3A_607 = math.exp %mul3A_606 : vector<16xf32>
        %get3A_608 = arith.index_cast %scan3A_111 : i32 to index
        %get3A_609 = arith.constant 224 : index
        %get3A_610 = tpu.vector_load %arg11[%get3A_608, %get3A_609] {strides = array<i32>} : memref<40x256xf32, #tpu.memory_space<vmem>>, vector<1x16xf32>,
        %get3A_611 = vector.shape_cast %get3A_610 : vector<1x16xf32> to vector<16xf32>
        %mul3A_612 = arith.mulf %exp3A_607, %get3A_611 : vector<16xf32>
        %swap3A_613 = arith.index_cast %scan3A_111 : i32 to index
        %swap3A_614 = arith.constant 96 : index
        %swap3A_615 = tpu.vector_load %arg14[%swap3A_613, %swap3A_614] {strides = array<i32>} : memref<40x144xf32, #tpu.memory_space<vmem>>, vector<1x16xf32>,
        %swap3A_616 = vector.shape_cast %swap3A_615 : vector<1x16xf32> to vector<16xf32>
        %swap3A_617 = vector.shape_cast %mul3A_612 : vector<16xf32> to vector<1x16xf32>
        tpu.vector_store %arg14[%swap3A_613, %swap3A_614], %swap3A_617 {strides = array<i32>} : memref<40x144xf32, #tpu.memory_space<vmem>>, vector<1x16xf32>,
        %eq3A_618 = arith.constant 6 : i32
        %eq3A_619 = vector.broadcast %eq3A_618 : i32 to vector<16xi32>
        %eq3A_620 = arith.cmpi eq, %iota3A, %eq3A_619 : vector<16xi32>
        %jit3A_621 = arith.constant 0.000000e+00 : f32
        %broadcast_in_dim3A_622 = vector.broadcast %jit3A_621 : f32 to vector<16xf32>
        %select_n3A_623 = arith.select %eq3A_620, %exp3A_607, %broadcast_in_dim3A_622 : vector<16xi1>, vector<16xf32>
        %add3A_624 = arith.addf %add3A_550, %select_n3A_623 : vector<16xf32>
        %get3A_625 = arith.index_cast %scan3A_111 : i32 to index
        %get3A_626 = arith.constant 112 : index
        %get3A_627 = tpu.vector_load %arg10[%get3A_625, %get3A_626] {strides = array<i32>} : memref<40x128xf32, #tpu.memory_space<vmem>>, vector<1x16xf32>,
        %get3A_628 = vector.shape_cast %get3A_627 : vector<1x16xf32> to vector<16xf32>
        %get3A_629 = arith.index_cast %scan3A_111 : i32 to index
        %get3A_630 = arith.constant 112 : index
        %get3A_631 = tpu.vector_load %arg11[%get3A_629, %get3A_630] {strides = array<i32>} : memref<40x256xf32, #tpu.memory_space<vmem>>, vector<1x16xf32>,
        %get3A_632 = vector.shape_cast %get3A_631 : vector<1x16xf32> to vector<16xf32>
        %mul3A_633 = arith.mulf %get3A_628, %get3A_632 : vector<16xf32>
        %lt3A_634 = arith.constant 0 : i32
        %lt3A_635 = vector.broadcast %lt3A_634 : i32 to vector<16xi32>
        %lt3A_636 = arith.cmpi slt, %xor3A_6, %lt3A_635 : vector<16xi32>
        %add3A_637 = arith.constant 16 : i32
        %add3A_638 = vector.broadcast %add3A_637 : i32 to vector<16xi32>
        %add3A_639 = arith.addi %xor3A_6, %add3A_638 : vector<16xi32>
        %select_n3A_640 = arith.select %lt3A_636, %add3A_639, %xor3A_6 : vector<16xi1>, vector<16xi32>
        %broadcast_in_dim3A_641 = vector.shape_cast %select_n3A_640 : vector<16xi32> to vector<16x1xi32>
        %gather3A_642 = vector.shape_cast %broadcast_in_dim3A_641 : vector<16x1xi32> to vector<16xi32>
        %gather3A_643 = tpu.dynamic_gather %mul3A_633[%gather3A_642] in [0] : vector<16xf32>, vector<16xi32> -> vector<16xf32>
        %add3A_644 = arith.addf %mul3A_633, %gather3A_643 : vector<16xf32>
        %lt3A_645 = arith.constant 0 : i32
        %lt3A_646 = vector.broadcast %lt3A_645 : i32 to vector<16xi32>
        %lt3A_647 = arith.cmpi slt, %xor3A_9, %lt3A_646 : vector<16xi32>
        %add3A_648 = arith.constant 16 : i32
        %add3A_649 = vector.broadcast %add3A_648 : i32 to vector<16xi32>
        %add3A_650 = arith.addi %xor3A_9, %add3A_649 : vector<16xi32>
        %select_n3A_651 = arith.select %lt3A_647, %add3A_650, %xor3A_9 : vector<16xi1>, vector<16xi32>
        %broadcast_in_dim3A_652 = vector.shape_cast %select_n3A_651 : vector<16xi32> to vector<16x1xi32>
        %gather3A_653 = vector.shape_cast %broadcast_in_dim3A_652 : vector<16x1xi32> to vector<16xi32>
        %gather3A_654 = tpu.dynamic_gather %add3A_644[%gather3A_653] in [0] : vector<16xf32>, vector<16xi32> -> vector<16xf32>
        %add3A_655 = arith.addf %add3A_644, %gather3A_654 : vector<16xf32>
        %lt3A_656 = arith.constant 0 : i32
        %lt3A_657 = vector.broadcast %lt3A_656 : i32 to vector<16xi32>
        %lt3A_658 = arith.cmpi slt, %xor3A_12, %lt3A_657 : vector<16xi32>
        %add3A_659 = arith.constant 16 : i32
        %add3A_660 = vector.broadcast %add3A_659 : i32 to vector<16xi32>
        %add3A_661 = arith.addi %xor3A_12, %add3A_660 : vector<16xi32>
        %select_n3A_662 = arith.select %lt3A_658, %add3A_661, %xor3A_12 : vector<16xi1>, vector<16xi32>
        %broadcast_in_dim3A_663 = vector.shape_cast %select_n3A_662 : vector<16xi32> to vector<16x1xi32>
        %gather3A_664 = vector.shape_cast %broadcast_in_dim3A_663 : vector<16x1xi32> to vector<16xi32>
        %gather3A_665 = tpu.dynamic_gather %add3A_655[%gather3A_664] in [0] : vector<16xf32>, vector<16xi32> -> vector<16xf32>
        %add3A_666 = arith.addf %add3A_655, %gather3A_665 : vector<16xf32>
        %lt3A_667 = arith.constant 0 : i32
        %lt3A_668 = vector.broadcast %lt3A_667 : i32 to vector<16xi32>
        %lt3A_669 = arith.cmpi slt, %xor3A_15, %lt3A_668 : vector<16xi32>
        %add3A_670 = arith.constant 16 : i32
        %add3A_671 = vector.broadcast %add3A_670 : i32 to vector<16xi32>
        %add3A_672 = arith.addi %xor3A_15, %add3A_671 : vector<16xi32>
        %select_n3A_673 = arith.select %lt3A_669, %add3A_672, %xor3A_15 : vector<16xi1>, vector<16xi32>
        %broadcast_in_dim3A_674 = vector.shape_cast %select_n3A_673 : vector<16xi32> to vector<16x1xi32>
        %gather3A_675 = vector.shape_cast %broadcast_in_dim3A_674 : vector<16x1xi32> to vector<16xi32>
        %gather3A_676 = tpu.dynamic_gather %add3A_666[%gather3A_675] in [0] : vector<16xf32>, vector<16xi32> -> vector<16xf32>
        %add3A_677 = arith.addf %add3A_666, %gather3A_676 : vector<16xf32>
        %mul3A_678 = arith.constant 2.500000e-01 : f32
        %mul3A_679 = vector.broadcast %mul3A_678 : f32 to vector<16xf32>
        %mul3A_680 = arith.mulf %add3A_677, %mul3A_679 : vector<16xf32>
        %exp3A_681 = math.exp %mul3A_680 : vector<16xf32>
        %get3A_682 = arith.index_cast %scan3A_111 : i32 to index
        %get3A_683 = arith.constant 240 : index
        %get3A_684 = tpu.vector_load %arg11[%get3A_682, %get3A_683] {strides = array<i32>} : memref<40x256xf32, #tpu.memory_space<vmem>>, vector<1x16xf32>,
        %get3A_685 = vector.shape_cast %get3A_684 : vector<1x16xf32> to vector<16xf32>
        %mul3A_686 = arith.mulf %exp3A_681, %get3A_685 : vector<16xf32>
        %swap3A_687 = arith.index_cast %scan3A_111 : i32 to index
        %swap3A_688 = arith.constant 112 : index
        %swap3A_689 = tpu.vector_load %arg14[%swap3A_687, %swap3A_688] {strides = array<i32>} : memref<40x144xf32, #tpu.memory_space<vmem>>, vector<1x16xf32>,
        %swap3A_690 = vector.shape_cast %swap3A_689 : vector<1x16xf32> to vector<16xf32>
        %swap3A_691 = vector.shape_cast %mul3A_686 : vector<16xf32> to vector<1x16xf32>
        tpu.vector_store %arg14[%swap3A_687, %swap3A_688], %swap3A_691 {strides = array<i32>} : memref<40x144xf32, #tpu.memory_space<vmem>>, vector<1x16xf32>,
        %eq3A_692 = arith.constant 7 : i32
        %eq3A_693 = vector.broadcast %eq3A_692 : i32 to vector<16xi32>
        %eq3A_694 = arith.cmpi eq, %iota3A, %eq3A_693 : vector<16xi32>
        %jit3A_695 = arith.constant 0.000000e+00 : f32
        %broadcast_in_dim3A_696 = vector.broadcast %jit3A_695 : f32 to vector<16xf32>
        %select_n3A_697 = arith.select %eq3A_694, %exp3A_681, %broadcast_in_dim3A_696 : vector<16xi1>, vector<16xf32>
        %add3A_698 = arith.addf %add3A_624, %select_n3A_697 : vector<16xf32>
        %swap3A_699 = arith.index_cast %scan3A_111 : i32 to index
        %swap3A_700 = arith.constant 128 : index
        %swap3A_701 = tpu.vector_load %arg14[%swap3A_699, %swap3A_700] {strides = array<i32>} : memref<40x144xf32, #tpu.memory_space<vmem>>, vector<1x16xf32>,
        %swap3A_702 = vector.shape_cast %swap3A_701 : vector<1x16xf32> to vector<16xf32>
        %swap3A_703 = vector.shape_cast %add3A_698 : vector<16xf32> to vector<1x16xf32>
        tpu.vector_store %arg14[%swap3A_699, %swap3A_700], %swap3A_703 {strides = array<i32>} : memref<40x144xf32, #tpu.memory_space<vmem>>, vector<1x16xf32>,
      }
      %scan3A_79 = arith.constant 40 : i32
      "tpu.region"() ({
        %run_scoped3A = tpu.sem_alloc : memref<!tpu.dma_semaphore, #tpu.memory_space<semaphore_mem>>
        %dma_start3A_111 = arith.constant 0 : i32
        %dma_start3A_112 = tpu.memref_slice %arg8[%rem3A_48, %dma_start3A_111] : memref<20x40xi32, #tpu.memory_space<vmem>> -> memref<1x40xi32, #tpu.memory_space<vmem>>
        %dma_start3A_113 = tpu.memref_squeeze %dma_start3A_112 : memref<1x40xi32, #tpu.memory_space<vmem>> -> memref<40xi32, #tpu.memory_space<vmem>>
        %dma_start3A_114 = arith.constant 0 : i32
        %dma_start3A_115 = arith.constant 0 : i32
        %dma_start3A_116 = tpu.memref_slice %arg15[%dma_start3A_114, %dma_start3A_115] : memref<10000x144xf32, #tpu.memory_space<vmem_shared>> -> memref<10000x144xf32, #tpu.memory_space<vmem_shared>>
        tpu.enqueue_indirect_dma source(%arg14 : memref<40x144xf32, #tpu.memory_space<vmem>>) target(%dma_start3A_116 : memref<10000x144xf32, #tpu.memory_space<vmem_shared>>) offsets(%dma_start3A_113 : memref<40xi32, #tpu.memory_space<vmem>>) semaphore(%run_scoped3A : memref<!tpu.dma_semaphore, #tpu.memory_space<semaphore_mem>>) {add = true}
        %dma_wait3A_117 = arith.constant 0 : i32
        %dma_wait3A_118 = tpu.memref_slice %arg8[%rem3A_48, %dma_wait3A_117] : memref<20x40xi32, #tpu.memory_space<vmem>> -> memref<1x40xi32, #tpu.memory_space<vmem>>
        %dma_wait3A_119 = tpu.memref_squeeze %dma_wait3A_118 : memref<1x40xi32, #tpu.memory_space<vmem>> -> memref<40xi32, #tpu.memory_space<vmem>>
        %dma_wait3A_120 = arith.constant 0 : i32
        %dma_wait3A_121 = arith.constant 0 : i32
        %dma_wait3A_122 = tpu.memref_slice %arg15[%dma_wait3A_120, %dma_wait3A_121] : memref<10000x144xf32, #tpu.memory_space<vmem_shared>> -> memref<10000x144xf32, #tpu.memory_space<vmem_shared>>
        tpu.wait_indirect_dma semaphore(%run_scoped3A : memref<!tpu.dma_semaphore, #tpu.memory_space<semaphore_mem>>) src(%arg14 : memref<40x144xf32, #tpu.memory_space<vmem>>) dst(%dma_wait3A_122 : memref<10000x144xf32, #tpu.memory_space<vmem_shared>>)
        tpu.yield
      }) : () -> ()
      %dma_wait3A_80 = arith.constant 0 : i32
      %dma_wait3A_81 = tpu.memref_slice %arg8[%add3A_50, %dma_wait3A_80] : memref<20x40xi32, #tpu.memory_space<vmem>> -> memref<1x40xi32, #tpu.memory_space<vmem>>
      %dma_wait3A_82 = tpu.memref_squeeze %dma_wait3A_81 : memref<1x40xi32, #tpu.memory_space<vmem>> -> memref<40xi32, #tpu.memory_space<vmem>>
      %dma_wait3A_83 = arith.constant 0 : i32
      %dma_wait3A_84 = arith.constant 0 : i32
      %dma_wait3A_85 = tpu.memref_slice %arg2[%dma_wait3A_83, %dma_wait3A_84] : memref<10000x128xf32, #tpu.memory_space<hbm>> -> memref<10000x128xf32, #tpu.memory_space<hbm>>
      tpu.wait_indirect_dma semaphore(%arg18 : memref<!tpu.dma_semaphore, #tpu.memory_space<semaphore_mem>>) src(%dma_wait3A_85 : memref<10000x128xf32, #tpu.memory_space<hbm>>) dst(%arg12 : memref<40x128xf32, #tpu.memory_space<vmem>>)
      %dma_wait3A_86 = arith.constant 0 : i32
      %dma_wait3A_87 = tpu.memref_slice %arg9[%add3A_50, %dma_wait3A_86] : memref<20x40xi32, #tpu.memory_space<vmem>> -> memref<1x40xi32, #tpu.memory_space<vmem>>
      %dma_wait3A_88 = tpu.memref_squeeze %dma_wait3A_87 : memref<1x40xi32, #tpu.memory_space<vmem>> -> memref<40xi32, #tpu.memory_space<vmem>>
      %dma_wait3A_89 = arith.constant 0 : i32
      %dma_wait3A_90 = arith.constant 0 : i32
      %dma_wait3A_91 = tpu.memref_slice %arg3[%dma_wait3A_89, %dma_wait3A_90] : memref<10000x256xf32, #tpu.memory_space<hbm>> -> memref<10000x256xf32, #tpu.memory_space<hbm>>
      tpu.wait_indirect_dma semaphore(%arg19 : memref<!tpu.dma_semaphore, #tpu.memory_space<semaphore_mem>>) src(%dma_wait3A_91 : memref<10000x256xf32, #tpu.memory_space<hbm>>) dst(%arg13 : memref<40x256xf32, #tpu.memory_space<vmem>>)
      %rem3A_92 = arith.constant 10 : i32
      %rem3A_93 = arith.remsi %rem3A_48, %rem3A_92 : i32
      %eq3A = arith.constant 2 : i32
      %eq3A_94 = arith.cmpi eq, %rem3A_93, %eq3A : i32
      %add3A_95 = arith.constant 8 : i32
      %add3A_96 = arith.addi %mul3A_47, %add3A_95 : i32
      %add3A_97 = arith.constant 10 : i32
      %add3A_98 = arith.addi %add3A_96, %add3A_97 : i32
      %le3A = arith.constant 250 : i32
      %le3A_99 = arith.cmpi sle, %add3A_98, %le3A : i32
      %and3A = arith.andi %eq3A_94, %le3A_99 : i1
      %convert_element_type3A = arith.extui %and3A : i1 to i32
      %cond3A = arith.constant 0 : i32
      %cond3A_100 = arith.cmpi ne, %convert_element_type3A, %cond3A : i32
      scf.if %cond3A_100 {
        %eq3A_111 = arith.constant 2 : i32
        %eq3A_112 = arith.cmpi eq, %rem3A_48, %eq3A_111 : i32
        %jit3A = arith.constant 10 : i32
        %jit3A_113 = arith.constant 0 : i32
        %select_n3A = arith.select %eq3A_112, %jit3A, %jit3A_113 : i32
        %add3A_114 = arith.constant 8 : i32
        %add3A_115 = arith.addi %mul3A_47, %add3A_114 : i32
        %add3A_116 = arith.addi %mul3A_17, %add3A_115 : i32
        "tpu.region"() ({
          %run_scoped3A = tpu.sem_alloc : memref<!tpu.dma_semaphore, #tpu.memory_space<semaphore_mem>>
          %dma_start3A_118 = arith.constant 0 : i32
          %dma_start3A_119 = tpu.memref_slice %arg8[%select_n3A, %dma_start3A_118] : memref<20x40xi32, #tpu.memory_space<vmem>> -> memref<10x40xi32, #tpu.memory_space<vmem>>
          %dma_start3A_120 = arith.constant 0 : i32
          %dma_start3A_121 = tpu.memref_slice %arg4[%add3A_116, %dma_start3A_120] : memref<8000x40xi32, #tpu.memory_space<hbm>> -> memref<10x40xi32, #tpu.memory_space<hbm>>
          %dma_start3A_122 = arith.constant 0 : i32
          %dma_start3A_123 = tpu.memref_slice %arg8[%select_n3A, %dma_start3A_122] : memref<20x40xi32, #tpu.memory_space<vmem>> -> memref<10x40xi32, #tpu.memory_space<vmem>>
          %dma_start3A_124 = arith.constant 0 : i32
          %dma_start3A_125 = tpu.memref_slice %arg4[%add3A_116, %dma_start3A_124] : memref<8000x40xi32, #tpu.memory_space<hbm>> -> memref<10x40xi32, #tpu.memory_space<hbm>>
          tpu.enqueue_dma source(%dma_start3A_125 : memref<10x40xi32, #tpu.memory_space<hbm>>) target(%dma_start3A_123 : memref<10x40xi32, #tpu.memory_space<vmem>>) target_semaphore(%run_scoped3A : memref<!tpu.dma_semaphore, #tpu.memory_space<semaphore_mem>>)
          %dma_wait3A_126 = arith.constant 0 : i32
          %dma_wait3A_127 = tpu.memref_slice %arg8[%select_n3A, %dma_wait3A_126] : memref<20x40xi32, #tpu.memory_space<vmem>> -> memref<10x40xi32, #tpu.memory_space<vmem>>
          %dma_wait3A_128 = arith.constant 0 : i32
          %dma_wait3A_129 = tpu.memref_slice %arg4[%add3A_116, %dma_wait3A_128] : memref<8000x40xi32, #tpu.memory_space<hbm>> -> memref<10x40xi32, #tpu.memory_space<hbm>>
          %dma_wait3A_130 = arith.constant 0 : i32
          %dma_wait3A_131 = tpu.memref_slice %arg8[%select_n3A, %dma_wait3A_130] : memref<20x40xi32, #tpu.memory_space<vmem>> -> memref<10x40xi32, #tpu.memory_space<vmem>>
          %dma_wait3A_132 = arith.constant 0 : i32
          %dma_wait3A_133 = tpu.memref_slice %arg4[%add3A_116, %dma_wait3A_132] : memref<8000x40xi32, #tpu.memory_space<hbm>> -> memref<10x40xi32, #tpu.memory_space<hbm>>
          tpu.wait_dma2 semaphore(%run_scoped3A : memref<!tpu.dma_semaphore, #tpu.memory_space<semaphore_mem>>) src(%dma_wait3A_133 : memref<10x40xi32, #tpu.memory_space<hbm>>) dst(%dma_wait3A_131 : memref<10x40xi32, #tpu.memory_space<vmem>>)
          tpu.yield
        }) : () -> ()
        %add3A_117 = arith.addi %mul3A_17, %add3A_115 : i32
        "tpu.region"() ({
          %run_scoped3A = tpu.sem_alloc : memref<!tpu.dma_semaphore, #tpu.memory_space<semaphore_mem>>
          %dma_start3A_118 = arith.constant 0 : i32
          %dma_start3A_119 = tpu.memref_slice %arg9[%select_n3A, %dma_start3A_118] : memref<20x40xi32, #tpu.memory_space<vmem>> -> memref<10x40xi32, #tpu.memory_space<vmem>>
          %dma_start3A_120 = arith.constant 0 : i32
          %dma_start3A_121 = tpu.memref_slice %arg5[%add3A_117, %dma_start3A_120] : memref<8000x40xi32, #tpu.memory_space<hbm>> -> memref<10x40xi32, #tpu.memory_space<hbm>>
          %dma_start3A_122 = arith.constant 0 : i32
          %dma_start3A_123 = tpu.memref_slice %arg9[%select_n3A, %dma_start3A_122] : memref<20x40xi32, #tpu.memory_space<vmem>> -> memref<10x40xi32, #tpu.memory_space<vmem>>
          %dma_start3A_124 = arith.constant 0 : i32
          %dma_start3A_125 = tpu.memref_slice %arg5[%add3A_117, %dma_start3A_124] : memref<8000x40xi32, #tpu.memory_space<hbm>> -> memref<10x40xi32, #tpu.memory_space<hbm>>
          tpu.enqueue_dma source(%dma_start3A_125 : memref<10x40xi32, #tpu.memory_space<hbm>>) target(%dma_start3A_123 : memref<10x40xi32, #tpu.memory_space<vmem>>) target_semaphore(%run_scoped3A : memref<!tpu.dma_semaphore, #tpu.memory_space<semaphore_mem>>)
          %dma_wait3A_126 = arith.constant 0 : i32
          %dma_wait3A_127 = tpu.memref_slice %arg9[%select_n3A, %dma_wait3A_126] : memref<20x40xi32, #tpu.memory_space<vmem>> -> memref<10x40xi32, #tpu.memory_space<vmem>>
          %dma_wait3A_128 = arith.constant 0 : i32
          %dma_wait3A_129 = tpu.memref_slice %arg5[%add3A_117, %dma_wait3A_128] : memref<8000x40xi32, #tpu.memory_space<hbm>> -> memref<10x40xi32, #tpu.memory_space<hbm>>
          %dma_wait3A_130 = arith.constant 0 : i32
          %dma_wait3A_131 = tpu.memref_slice %arg9[%select_n3A, %dma_wait3A_130] : memref<20x40xi32, #tpu.memory_space<vmem>> -> memref<10x40xi32, #tpu.memory_space<vmem>>
          %dma_wait3A_132 = arith.constant 0 : i32
          %dma_wait3A_133 = tpu.memref_slice %arg5[%add3A_117, %dma_wait3A_132] : memref<8000x40xi32, #tpu.memory_space<hbm>> -> memref<10x40xi32, #tpu.memory_space<hbm>>
          tpu.wait_dma2 semaphore(%run_scoped3A : memref<!tpu.dma_semaphore, #tpu.memory_space<semaphore_mem>>) src(%dma_wait3A_133 : memref<10x40xi32, #tpu.memory_space<hbm>>) dst(%dma_wait3A_131 : memref<10x40xi32, #tpu.memory_space<vmem>>)
          tpu.yield
        }) : () -> ()
      } else {
      }
      %lt3A = arith.constant 124 : i32
      %lt3A_101 = arith.cmpi slt, %scan3A_45, %lt3A : i32
      %convert_element_type3A_102 = arith.extui %lt3A_101 : i1 to i32
      %cond3A_103 = arith.constant 0 : i32
      %cond3A_104 = arith.cmpi ne, %convert_element_type3A_102, %cond3A_103 : i32
      scf.if %cond3A_104 {
        %add3A_111 = arith.constant 2 : i32
        %add3A_112 = arith.addi %mul3A_47, %add3A_111 : i32
        %rem3A_113 = arith.constant 20 : i32
        %rem3A_114 = arith.remsi %add3A_112, %rem3A_113 : i32
        %dma_start3A_115 = arith.constant 0 : i32
        %dma_start3A_116 = tpu.memref_slice %arg8[%rem3A_114, %dma_start3A_115] : memref<20x40xi32, #tpu.memory_space<vmem>> -> memref<1x40xi32, #tpu.memory_space<vmem>>
        %dma_start3A_117 = tpu.memref_squeeze %dma_start3A_116 : memref<1x40xi32, #tpu.memory_space<vmem>> -> memref<40xi32, #tpu.memory_space<vmem>>
        %dma_start3A_118 = arith.constant 0 : i32
        %dma_start3A_119 = arith.constant 0 : i32
        %dma_start3A_120 = tpu.memref_slice %arg2[%dma_start3A_118, %dma_start3A_119] : memref<10000x128xf32, #tpu.memory_space<hbm>> -> memref<10000x128xf32, #tpu.memory_space<hbm>>
        tpu.enqueue_indirect_dma source(%dma_start3A_120 : memref<10000x128xf32, #tpu.memory_space<hbm>>) target(%arg10 : memref<40x128xf32, #tpu.memory_space<vmem>>) offsets(%dma_start3A_117 : memref<40xi32, #tpu.memory_space<vmem>>) semaphore(%arg16 : memref<!tpu.dma_semaphore, #tpu.memory_space<semaphore_mem>>)
        %dma_start3A_121 = arith.constant 0 : i32
        %dma_start3A_122 = tpu.memref_slice %arg9[%rem3A_114, %dma_start3A_121] : memref<20x40xi32, #tpu.memory_space<vmem>> -> memref<1x40xi32, #tpu.memory_space<vmem>>
        %dma_start3A_123 = tpu.memref_squeeze %dma_start3A_122 : memref<1x40xi32, #tpu.memory_space<vmem>> -> memref<40xi32, #tpu.memory_space<vmem>>
        %dma_start3A_124 = arith.constant 0 : i32
        %dma_start3A_125 = arith.constant 0 : i32
        %dma_start3A_126 = tpu.memref_slice %arg3[%dma_start3A_124, %dma_start3A_125] : memref<10000x256xf32, #tpu.memory_space<hbm>> -> memref<10000x256xf32, #tpu.memory_space<hbm>>
        tpu.enqueue_indirect_dma source(%dma_start3A_126 : memref<10000x256xf32, #tpu.memory_space<hbm>>) target(%arg11 : memref<40x256xf32, #tpu.memory_space<vmem>>) offsets(%dma_start3A_123 : memref<40xi32, #tpu.memory_space<vmem>>) semaphore(%arg17 : memref<!tpu.dma_semaphore, #tpu.memory_space<semaphore_mem>>)
      } else {
      }
      %scan3A_105 = arith.constant 0 : i32
      %scan3A_106 = arith.constant 0 : i32
      %scan3A_107 = arith.constant 40 : i32
      %scan3A_108 = arith.addi %scan3A_106, %scan3A_107 : i32
      %scan3A_109 = arith.constant 1 : i32
      scf.for %scan3A_111 = %scan3A_106 to %scan3A_108 step %scan3A_109  : i32 {
        %broadcast_in_dim3A = arith.constant 0.000000e+00 : f32
        %broadcast_in_dim3A_112 = vector.broadcast %broadcast_in_dim3A : f32 to vector<16xf32>
        %get3A = arith.index_cast %scan3A_111 : i32 to index
        %get3A_113 = arith.constant 0 : index
        %get3A_114 = tpu.vector_load %arg12[%get3A, %get3A_113] {strides = array<i32>} : memref<40x128xf32, #tpu.memory_space<vmem>>, vector<1x16xf32>,
        %get3A_115 = vector.shape_cast %get3A_114 : vector<1x16xf32> to vector<16xf32>
        %get3A_116 = arith.index_cast %scan3A_111 : i32 to index
        %get3A_117 = arith.constant 0 : index
        %get3A_118 = tpu.vector_load %arg13[%get3A_116, %get3A_117] {strides = array<i32>} : memref<40x256xf32, #tpu.memory_space<vmem>>, vector<1x16xf32>,
        %get3A_119 = vector.shape_cast %get3A_118 : vector<1x16xf32> to vector<16xf32>
        %mul3A_120 = arith.mulf %get3A_115, %get3A_119 : vector<16xf32>
        %lt3A_121 = arith.constant 0 : i32
        %lt3A_122 = vector.broadcast %lt3A_121 : i32 to vector<16xi32>
        %lt3A_123 = arith.cmpi slt, %xor3A_6, %lt3A_122 : vector<16xi32>
        %add3A_124 = arith.constant 16 : i32
        %add3A_125 = vector.broadcast %add3A_124 : i32 to vector<16xi32>
        %add3A_126 = arith.addi %xor3A_6, %add3A_125 : vector<16xi32>
        %select_n3A = arith.select %lt3A_123, %add3A_126, %xor3A_6 : vector<16xi1>, vector<16xi32>
        %broadcast_in_dim3A_127 = vector.shape_cast %select_n3A : vector<16xi32> to vector<16x1xi32>
        %gather3A = vector.shape_cast %broadcast_in_dim3A_127 : vector<16x1xi32> to vector<16xi32>
        %gather3A_128 = tpu.dynamic_gather %mul3A_120[%gather3A] in [0] : vector<16xf32>, vector<16xi32> -> vector<16xf32>
        %add3A_129 = arith.addf %mul3A_120, %gather3A_128 : vector<16xf32>
        %lt3A_130 = arith.constant 0 : i32
        %lt3A_131 = vector.broadcast %lt3A_130 : i32 to vector<16xi32>
        %lt3A_132 = arith.cmpi slt, %xor3A_9, %lt3A_131 : vector<16xi32>
        %add3A_133 = arith.constant 16 : i32
        %add3A_134 = vector.broadcast %add3A_133 : i32 to vector<16xi32>
        %add3A_135 = arith.addi %xor3A_9, %add3A_134 : vector<16xi32>
        %select_n3A_136 = arith.select %lt3A_132, %add3A_135, %xor3A_9 : vector<16xi1>, vector<16xi32>
        %broadcast_in_dim3A_137 = vector.shape_cast %select_n3A_136 : vector<16xi32> to vector<16x1xi32>
        %gather3A_138 = vector.shape_cast %broadcast_in_dim3A_137 : vector<16x1xi32> to vector<16xi32>
        %gather3A_139 = tpu.dynamic_gather %add3A_129[%gather3A_138] in [0] : vector<16xf32>, vector<16xi32> -> vector<16xf32>
        %add3A_140 = arith.addf %add3A_129, %gather3A_139 : vector<16xf32>
        %lt3A_141 = arith.constant 0 : i32
        %lt3A_142 = vector.broadcast %lt3A_141 : i32 to vector<16xi32>
        %lt3A_143 = arith.cmpi slt, %xor3A_12, %lt3A_142 : vector<16xi32>
        %add3A_144 = arith.constant 16 : i32
        %add3A_145 = vector.broadcast %add3A_144 : i32 to vector<16xi32>
        %add3A_146 = arith.addi %xor3A_12, %add3A_145 : vector<16xi32>
        %select_n3A_147 = arith.select %lt3A_143, %add3A_146, %xor3A_12 : vector<16xi1>, vector<16xi32>
        %broadcast_in_dim3A_148 = vector.shape_cast %select_n3A_147 : vector<16xi32> to vector<16x1xi32>
        %gather3A_149 = vector.shape_cast %broadcast_in_dim3A_148 : vector<16x1xi32> to vector<16xi32>
        %gather3A_150 = tpu.dynamic_gather %add3A_140[%gather3A_149] in [0] : vector<16xf32>, vector<16xi32> -> vector<16xf32>
        %add3A_151 = arith.addf %add3A_140, %gather3A_150 : vector<16xf32>
        %lt3A_152 = arith.constant 0 : i32
        %lt3A_153 = vector.broadcast %lt3A_152 : i32 to vector<16xi32>
        %lt3A_154 = arith.cmpi slt, %xor3A_15, %lt3A_153 : vector<16xi32>
        %add3A_155 = arith.constant 16 : i32
        %add3A_156 = vector.broadcast %add3A_155 : i32 to vector<16xi32>
        %add3A_157 = arith.addi %xor3A_15, %add3A_156 : vector<16xi32>
        %select_n3A_158 = arith.select %lt3A_154, %add3A_157, %xor3A_15 : vector<16xi1>, vector<16xi32>
        %broadcast_in_dim3A_159 = vector.shape_cast %select_n3A_158 : vector<16xi32> to vector<16x1xi32>
        %gather3A_160 = vector.shape_cast %broadcast_in_dim3A_159 : vector<16x1xi32> to vector<16xi32>
        %gather3A_161 = tpu.dynamic_gather %add3A_151[%gather3A_160] in [0] : vector<16xf32>, vector<16xi32> -> vector<16xf32>
        %add3A_162 = arith.addf %add3A_151, %gather3A_161 : vector<16xf32>
        %mul3A_163 = arith.constant 2.500000e-01 : f32
        %mul3A_164 = vector.broadcast %mul3A_163 : f32 to vector<16xf32>
        %mul3A_165 = arith.mulf %add3A_162, %mul3A_164 : vector<16xf32>
        %exp3A = math.exp %mul3A_165 : vector<16xf32>
        %get3A_166 = arith.index_cast %scan3A_111 : i32 to index
        %get3A_167 = arith.constant 128 : index
        %get3A_168 = tpu.vector_load %arg13[%get3A_166, %get3A_167] {strides = array<i32>} : memref<40x256xf32, #tpu.memory_space<vmem>>, vector<1x16xf32>,
        %get3A_169 = vector.shape_cast %get3A_168 : vector<1x16xf32> to vector<16xf32>
        %mul3A_170 = arith.mulf %exp3A, %get3A_169 : vector<16xf32>
        %swap3A = arith.index_cast %scan3A_111 : i32 to index
        %swap3A_171 = arith.constant 0 : index
        %swap3A_172 = tpu.vector_load %arg14[%swap3A, %swap3A_171] {strides = array<i32>} : memref<40x144xf32, #tpu.memory_space<vmem>>, vector<1x16xf32>,
        %swap3A_173 = vector.shape_cast %swap3A_172 : vector<1x16xf32> to vector<16xf32>
        %swap3A_174 = vector.shape_cast %mul3A_170 : vector<16xf32> to vector<1x16xf32>
        tpu.vector_store %arg14[%swap3A, %swap3A_171], %swap3A_174 {strides = array<i32>} : memref<40x144xf32, #tpu.memory_space<vmem>>, vector<1x16xf32>,
        %eq3A_175 = arith.constant 0 : i32
        %eq3A_176 = vector.broadcast %eq3A_175 : i32 to vector<16xi32>
        %eq3A_177 = arith.cmpi eq, %iota3A, %eq3A_176 : vector<16xi32>
        %jit3A = arith.constant 0.000000e+00 : f32
        %broadcast_in_dim3A_178 = vector.broadcast %jit3A : f32 to vector<16xf32>
        %select_n3A_179 = arith.select %eq3A_177, %exp3A, %broadcast_in_dim3A_178 : vector<16xi1>, vector<16xf32>
        %add3A_180 = arith.addf %broadcast_in_dim3A_112, %select_n3A_179 : vector<16xf32>
        %get3A_181 = arith.index_cast %scan3A_111 : i32 to index
        %get3A_182 = arith.constant 16 : index
        %get3A_183 = tpu.vector_load %arg12[%get3A_181, %get3A_182] {strides = array<i32>} : memref<40x128xf32, #tpu.memory_space<vmem>>, vector<1x16xf32>,
        %get3A_184 = vector.shape_cast %get3A_183 : vector<1x16xf32> to vector<16xf32>
        %get3A_185 = arith.index_cast %scan3A_111 : i32 to index
        %get3A_186 = arith.constant 16 : index
        %get3A_187 = tpu.vector_load %arg13[%get3A_185, %get3A_186] {strides = array<i32>} : memref<40x256xf32, #tpu.memory_space<vmem>>, vector<1x16xf32>,
        %get3A_188 = vector.shape_cast %get3A_187 : vector<1x16xf32> to vector<16xf32>
        %mul3A_189 = arith.mulf %get3A_184, %get3A_188 : vector<16xf32>
        %lt3A_190 = arith.constant 0 : i32
        %lt3A_191 = vector.broadcast %lt3A_190 : i32 to vector<16xi32>
        %lt3A_192 = arith.cmpi slt, %xor3A_6, %lt3A_191 : vector<16xi32>
        %add3A_193 = arith.constant 16 : i32
        %add3A_194 = vector.broadcast %add3A_193 : i32 to vector<16xi32>
        %add3A_195 = arith.addi %xor3A_6, %add3A_194 : vector<16xi32>
        %select_n3A_196 = arith.select %lt3A_192, %add3A_195, %xor3A_6 : vector<16xi1>, vector<16xi32>
        %broadcast_in_dim3A_197 = vector.shape_cast %select_n3A_196 : vector<16xi32> to vector<16x1xi32>
        %gather3A_198 = vector.shape_cast %broadcast_in_dim3A_197 : vector<16x1xi32> to vector<16xi32>
        %gather3A_199 = tpu.dynamic_gather %mul3A_189[%gather3A_198] in [0] : vector<16xf32>, vector<16xi32> -> vector<16xf32>
        %add3A_200 = arith.addf %mul3A_189, %gather3A_199 : vector<16xf32>
        %lt3A_201 = arith.constant 0 : i32
        %lt3A_202 = vector.broadcast %lt3A_201 : i32 to vector<16xi32>
        %lt3A_203 = arith.cmpi slt, %xor3A_9, %lt3A_202 : vector<16xi32>
        %add3A_204 = arith.constant 16 : i32
        %add3A_205 = vector.broadcast %add3A_204 : i32 to vector<16xi32>
        %add3A_206 = arith.addi %xor3A_9, %add3A_205 : vector<16xi32>
        %select_n3A_207 = arith.select %lt3A_203, %add3A_206, %xor3A_9 : vector<16xi1>, vector<16xi32>
        %broadcast_in_dim3A_208 = vector.shape_cast %select_n3A_207 : vector<16xi32> to vector<16x1xi32>
        %gather3A_209 = vector.shape_cast %broadcast_in_dim3A_208 : vector<16x1xi32> to vector<16xi32>
        %gather3A_210 = tpu.dynamic_gather %add3A_200[%gather3A_209] in [0] : vector<16xf32>, vector<16xi32> -> vector<16xf32>
        %add3A_211 = arith.addf %add3A_200, %gather3A_210 : vector<16xf32>
        %lt3A_212 = arith.constant 0 : i32
        %lt3A_213 = vector.broadcast %lt3A_212 : i32 to vector<16xi32>
        %lt3A_214 = arith.cmpi slt, %xor3A_12, %lt3A_213 : vector<16xi32>
        %add3A_215 = arith.constant 16 : i32
        %add3A_216 = vector.broadcast %add3A_215 : i32 to vector<16xi32>
        %add3A_217 = arith.addi %xor3A_12, %add3A_216 : vector<16xi32>
        %select_n3A_218 = arith.select %lt3A_214, %add3A_217, %xor3A_12 : vector<16xi1>, vector<16xi32>
        %broadcast_in_dim3A_219 = vector.shape_cast %select_n3A_218 : vector<16xi32> to vector<16x1xi32>
        %gather3A_220 = vector.shape_cast %broadcast_in_dim3A_219 : vector<16x1xi32> to vector<16xi32>
        %gather3A_221 = tpu.dynamic_gather %add3A_211[%gather3A_220] in [0] : vector<16xf32>, vector<16xi32> -> vector<16xf32>
        %add3A_222 = arith.addf %add3A_211, %gather3A_221 : vector<16xf32>
        %lt3A_223 = arith.constant 0 : i32
        %lt3A_224 = vector.broadcast %lt3A_223 : i32 to vector<16xi32>
        %lt3A_225 = arith.cmpi slt, %xor3A_15, %lt3A_224 : vector<16xi32>
        %add3A_226 = arith.constant 16 : i32
        %add3A_227 = vector.broadcast %add3A_226 : i32 to vector<16xi32>
        %add3A_228 = arith.addi %xor3A_15, %add3A_227 : vector<16xi32>
        %select_n3A_229 = arith.select %lt3A_225, %add3A_228, %xor3A_15 : vector<16xi1>, vector<16xi32>
        %broadcast_in_dim3A_230 = vector.shape_cast %select_n3A_229 : vector<16xi32> to vector<16x1xi32>
        %gather3A_231 = vector.shape_cast %broadcast_in_dim3A_230 : vector<16x1xi32> to vector<16xi32>
        %gather3A_232 = tpu.dynamic_gather %add3A_222[%gather3A_231] in [0] : vector<16xf32>, vector<16xi32> -> vector<16xf32>
        %add3A_233 = arith.addf %add3A_222, %gather3A_232 : vector<16xf32>
        %mul3A_234 = arith.constant 2.500000e-01 : f32
        %mul3A_235 = vector.broadcast %mul3A_234 : f32 to vector<16xf32>
        %mul3A_236 = arith.mulf %add3A_233, %mul3A_235 : vector<16xf32>
        %exp3A_237 = math.exp %mul3A_236 : vector<16xf32>
        %get3A_238 = arith.index_cast %scan3A_111 : i32 to index
        %get3A_239 = arith.constant 144 : index
        %get3A_240 = tpu.vector_load %arg13[%get3A_238, %get3A_239] {strides = array<i32>} : memref<40x256xf32, #tpu.memory_space<vmem>>, vector<1x16xf32>,
        %get3A_241 = vector.shape_cast %get3A_240 : vector<1x16xf32> to vector<16xf32>
        %mul3A_242 = arith.mulf %exp3A_237, %get3A_241 : vector<16xf32>
        %swap3A_243 = arith.index_cast %scan3A_111 : i32 to index
        %swap3A_244 = arith.constant 16 : index
        %swap3A_245 = tpu.vector_load %arg14[%swap3A_243, %swap3A_244] {strides = array<i32>} : memref<40x144xf32, #tpu.memory_space<vmem>>, vector<1x16xf32>,
        %swap3A_246 = vector.shape_cast %swap3A_245 : vector<1x16xf32> to vector<16xf32>
        %swap3A_247 = vector.shape_cast %mul3A_242 : vector<16xf32> to vector<1x16xf32>
        tpu.vector_store %arg14[%swap3A_243, %swap3A_244], %swap3A_247 {strides = array<i32>} : memref<40x144xf32, #tpu.memory_space<vmem>>, vector<1x16xf32>,
        %eq3A_248 = arith.constant 1 : i32
        %eq3A_249 = vector.broadcast %eq3A_248 : i32 to vector<16xi32>
        %eq3A_250 = arith.cmpi eq, %iota3A, %eq3A_249 : vector<16xi32>
        %jit3A_251 = arith.constant 0.000000e+00 : f32
        %broadcast_in_dim3A_252 = vector.broadcast %jit3A_251 : f32 to vector<16xf32>
        %select_n3A_253 = arith.select %eq3A_250, %exp3A_237, %broadcast_in_dim3A_252 : vector<16xi1>, vector<16xf32>
        %add3A_254 = arith.addf %add3A_180, %select_n3A_253 : vector<16xf32>
        %get3A_255 = arith.index_cast %scan3A_111 : i32 to index
        %get3A_256 = arith.constant 32 : index
        %get3A_257 = tpu.vector_load %arg12[%get3A_255, %get3A_256] {strides = array<i32>} : memref<40x128xf32, #tpu.memory_space<vmem>>, vector<1x16xf32>,
        %get3A_258 = vector.shape_cast %get3A_257 : vector<1x16xf32> to vector<16xf32>
        %get3A_259 = arith.index_cast %scan3A_111 : i32 to index
        %get3A_260 = arith.constant 32 : index
        %get3A_261 = tpu.vector_load %arg13[%get3A_259, %get3A_260] {strides = array<i32>} : memref<40x256xf32, #tpu.memory_space<vmem>>, vector<1x16xf32>,
        %get3A_262 = vector.shape_cast %get3A_261 : vector<1x16xf32> to vector<16xf32>
        %mul3A_263 = arith.mulf %get3A_258, %get3A_262 : vector<16xf32>
        %lt3A_264 = arith.constant 0 : i32
        %lt3A_265 = vector.broadcast %lt3A_264 : i32 to vector<16xi32>
        %lt3A_266 = arith.cmpi slt, %xor3A_6, %lt3A_265 : vector<16xi32>
        %add3A_267 = arith.constant 16 : i32
        %add3A_268 = vector.broadcast %add3A_267 : i32 to vector<16xi32>
        %add3A_269 = arith.addi %xor3A_6, %add3A_268 : vector<16xi32>
        %select_n3A_270 = arith.select %lt3A_266, %add3A_269, %xor3A_6 : vector<16xi1>, vector<16xi32>
        %broadcast_in_dim3A_271 = vector.shape_cast %select_n3A_270 : vector<16xi32> to vector<16x1xi32>
        %gather3A_272 = vector.shape_cast %broadcast_in_dim3A_271 : vector<16x1xi32> to vector<16xi32>
        %gather3A_273 = tpu.dynamic_gather %mul3A_263[%gather3A_272] in [0] : vector<16xf32>, vector<16xi32> -> vector<16xf32>
        %add3A_274 = arith.addf %mul3A_263, %gather3A_273 : vector<16xf32>
        %lt3A_275 = arith.constant 0 : i32
        %lt3A_276 = vector.broadcast %lt3A_275 : i32 to vector<16xi32>
        %lt3A_277 = arith.cmpi slt, %xor3A_9, %lt3A_276 : vector<16xi32>
        %add3A_278 = arith.constant 16 : i32
        %add3A_279 = vector.broadcast %add3A_278 : i32 to vector<16xi32>
        %add3A_280 = arith.addi %xor3A_9, %add3A_279 : vector<16xi32>
        %select_n3A_281 = arith.select %lt3A_277, %add3A_280, %xor3A_9 : vector<16xi1>, vector<16xi32>
        %broadcast_in_dim3A_282 = vector.shape_cast %select_n3A_281 : vector<16xi32> to vector<16x1xi32>
        %gather3A_283 = vector.shape_cast %broadcast_in_dim3A_282 : vector<16x1xi32> to vector<16xi32>
        %gather3A_284 = tpu.dynamic_gather %add3A_274[%gather3A_283] in [0] : vector<16xf32>, vector<16xi32> -> vector<16xf32>
        %add3A_285 = arith.addf %add3A_274, %gather3A_284 : vector<16xf32>
        %lt3A_286 = arith.constant 0 : i32
        %lt3A_287 = vector.broadcast %lt3A_286 : i32 to vector<16xi32>
        %lt3A_288 = arith.cmpi slt, %xor3A_12, %lt3A_287 : vector<16xi32>
        %add3A_289 = arith.constant 16 : i32
        %add3A_290 = vector.broadcast %add3A_289 : i32 to vector<16xi32>
        %add3A_291 = arith.addi %xor3A_12, %add3A_290 : vector<16xi32>
        %select_n3A_292 = arith.select %lt3A_288, %add3A_291, %xor3A_12 : vector<16xi1>, vector<16xi32>
        %broadcast_in_dim3A_293 = vector.shape_cast %select_n3A_292 : vector<16xi32> to vector<16x1xi32>
        %gather3A_294 = vector.shape_cast %broadcast_in_dim3A_293 : vector<16x1xi32> to vector<16xi32>
        %gather3A_295 = tpu.dynamic_gather %add3A_285[%gather3A_294] in [0] : vector<16xf32>, vector<16xi32> -> vector<16xf32>
        %add3A_296 = arith.addf %add3A_285, %gather3A_295 : vector<16xf32>
        %lt3A_297 = arith.constant 0 : i32
        %lt3A_298 = vector.broadcast %lt3A_297 : i32 to vector<16xi32>
        %lt3A_299 = arith.cmpi slt, %xor3A_15, %lt3A_298 : vector<16xi32>
        %add3A_300 = arith.constant 16 : i32
        %add3A_301 = vector.broadcast %add3A_300 : i32 to vector<16xi32>
        %add3A_302 = arith.addi %xor3A_15, %add3A_301 : vector<16xi32>
        %select_n3A_303 = arith.select %lt3A_299, %add3A_302, %xor3A_15 : vector<16xi1>, vector<16xi32>
        %broadcast_in_dim3A_304 = vector.shape_cast %select_n3A_303 : vector<16xi32> to vector<16x1xi32>
        %gather3A_305 = vector.shape_cast %broadcast_in_dim3A_304 : vector<16x1xi32> to vector<16xi32>
        %gather3A_306 = tpu.dynamic_gather %add3A_296[%gather3A_305] in [0] : vector<16xf32>, vector<16xi32> -> vector<16xf32>
        %add3A_307 = arith.addf %add3A_296, %gather3A_306 : vector<16xf32>
        %mul3A_308 = arith.constant 2.500000e-01 : f32
        %mul3A_309 = vector.broadcast %mul3A_308 : f32 to vector<16xf32>
        %mul3A_310 = arith.mulf %add3A_307, %mul3A_309 : vector<16xf32>
        %exp3A_311 = math.exp %mul3A_310 : vector<16xf32>
        %get3A_312 = arith.index_cast %scan3A_111 : i32 to index
        %get3A_313 = arith.constant 160 : index
        %get3A_314 = tpu.vector_load %arg13[%get3A_312, %get3A_313] {strides = array<i32>} : memref<40x256xf32, #tpu.memory_space<vmem>>, vector<1x16xf32>,
        %get3A_315 = vector.shape_cast %get3A_314 : vector<1x16xf32> to vector<16xf32>
        %mul3A_316 = arith.mulf %exp3A_311, %get3A_315 : vector<16xf32>
        %swap3A_317 = arith.index_cast %scan3A_111 : i32 to index
        %swap3A_318 = arith.constant 32 : index
        %swap3A_319 = tpu.vector_load %arg14[%swap3A_317, %swap3A_318] {strides = array<i32>} : memref<40x144xf32, #tpu.memory_space<vmem>>, vector<1x16xf32>,
        %swap3A_320 = vector.shape_cast %swap3A_319 : vector<1x16xf32> to vector<16xf32>
        %swap3A_321 = vector.shape_cast %mul3A_316 : vector<16xf32> to vector<1x16xf32>
        tpu.vector_store %arg14[%swap3A_317, %swap3A_318], %swap3A_321 {strides = array<i32>} : memref<40x144xf32, #tpu.memory_space<vmem>>, vector<1x16xf32>,
        %eq3A_322 = arith.constant 2 : i32
        %eq3A_323 = vector.broadcast %eq3A_322 : i32 to vector<16xi32>
        %eq3A_324 = arith.cmpi eq, %iota3A, %eq3A_323 : vector<16xi32>
        %jit3A_325 = arith.constant 0.000000e+00 : f32
        %broadcast_in_dim3A_326 = vector.broadcast %jit3A_325 : f32 to vector<16xf32>
        %select_n3A_327 = arith.select %eq3A_324, %exp3A_311, %broadcast_in_dim3A_326 : vector<16xi1>, vector<16xf32>
        %add3A_328 = arith.addf %add3A_254, %select_n3A_327 : vector<16xf32>
        %get3A_329 = arith.index_cast %scan3A_111 : i32 to index
        %get3A_330 = arith.constant 48 : index
        %get3A_331 = tpu.vector_load %arg12[%get3A_329, %get3A_330] {strides = array<i32>} : memref<40x128xf32, #tpu.memory_space<vmem>>, vector<1x16xf32>,
        %get3A_332 = vector.shape_cast %get3A_331 : vector<1x16xf32> to vector<16xf32>
        %get3A_333 = arith.index_cast %scan3A_111 : i32 to index
        %get3A_334 = arith.constant 48 : index
        %get3A_335 = tpu.vector_load %arg13[%get3A_333, %get3A_334] {strides = array<i32>} : memref<40x256xf32, #tpu.memory_space<vmem>>, vector<1x16xf32>,
        %get3A_336 = vector.shape_cast %get3A_335 : vector<1x16xf32> to vector<16xf32>
        %mul3A_337 = arith.mulf %get3A_332, %get3A_336 : vector<16xf32>
        %lt3A_338 = arith.constant 0 : i32
        %lt3A_339 = vector.broadcast %lt3A_338 : i32 to vector<16xi32>
        %lt3A_340 = arith.cmpi slt, %xor3A_6, %lt3A_339 : vector<16xi32>
        %add3A_341 = arith.constant 16 : i32
        %add3A_342 = vector.broadcast %add3A_341 : i32 to vector<16xi32>
        %add3A_343 = arith.addi %xor3A_6, %add3A_342 : vector<16xi32>
        %select_n3A_344 = arith.select %lt3A_340, %add3A_343, %xor3A_6 : vector<16xi1>, vector<16xi32>
        %broadcast_in_dim3A_345 = vector.shape_cast %select_n3A_344 : vector<16xi32> to vector<16x1xi32>
        %gather3A_346 = vector.shape_cast %broadcast_in_dim3A_345 : vector<16x1xi32> to vector<16xi32>
        %gather3A_347 = tpu.dynamic_gather %mul3A_337[%gather3A_346] in [0] : vector<16xf32>, vector<16xi32> -> vector<16xf32>
        %add3A_348 = arith.addf %mul3A_337, %gather3A_347 : vector<16xf32>
        %lt3A_349 = arith.constant 0 : i32
        %lt3A_350 = vector.broadcast %lt3A_349 : i32 to vector<16xi32>
        %lt3A_351 = arith.cmpi slt, %xor3A_9, %lt3A_350 : vector<16xi32>
        %add3A_352 = arith.constant 16 : i32
        %add3A_353 = vector.broadcast %add3A_352 : i32 to vector<16xi32>
        %add3A_354 = arith.addi %xor3A_9, %add3A_353 : vector<16xi32>
        %select_n3A_355 = arith.select %lt3A_351, %add3A_354, %xor3A_9 : vector<16xi1>, vector<16xi32>
        %broadcast_in_dim3A_356 = vector.shape_cast %select_n3A_355 : vector<16xi32> to vector<16x1xi32>
        %gather3A_357 = vector.shape_cast %broadcast_in_dim3A_356 : vector<16x1xi32> to vector<16xi32>
        %gather3A_358 = tpu.dynamic_gather %add3A_348[%gather3A_357] in [0] : vector<16xf32>, vector<16xi32> -> vector<16xf32>
        %add3A_359 = arith.addf %add3A_348, %gather3A_358 : vector<16xf32>
        %lt3A_360 = arith.constant 0 : i32
        %lt3A_361 = vector.broadcast %lt3A_360 : i32 to vector<16xi32>
        %lt3A_362 = arith.cmpi slt, %xor3A_12, %lt3A_361 : vector<16xi32>
        %add3A_363 = arith.constant 16 : i32
        %add3A_364 = vector.broadcast %add3A_363 : i32 to vector<16xi32>
        %add3A_365 = arith.addi %xor3A_12, %add3A_364 : vector<16xi32>
        %select_n3A_366 = arith.select %lt3A_362, %add3A_365, %xor3A_12 : vector<16xi1>, vector<16xi32>
        %broadcast_in_dim3A_367 = vector.shape_cast %select_n3A_366 : vector<16xi32> to vector<16x1xi32>
        %gather3A_368 = vector.shape_cast %broadcast_in_dim3A_367 : vector<16x1xi32> to vector<16xi32>
        %gather3A_369 = tpu.dynamic_gather %add3A_359[%gather3A_368] in [0] : vector<16xf32>, vector<16xi32> -> vector<16xf32>
        %add3A_370 = arith.addf %add3A_359, %gather3A_369 : vector<16xf32>
        %lt3A_371 = arith.constant 0 : i32
        %lt3A_372 = vector.broadcast %lt3A_371 : i32 to vector<16xi32>
        %lt3A_373 = arith.cmpi slt, %xor3A_15, %lt3A_372 : vector<16xi32>
        %add3A_374 = arith.constant 16 : i32
        %add3A_375 = vector.broadcast %add3A_374 : i32 to vector<16xi32>
        %add3A_376 = arith.addi %xor3A_15, %add3A_375 : vector<16xi32>
        %select_n3A_377 = arith.select %lt3A_373, %add3A_376, %xor3A_15 : vector<16xi1>, vector<16xi32>
        %broadcast_in_dim3A_378 = vector.shape_cast %select_n3A_377 : vector<16xi32> to vector<16x1xi32>
        %gather3A_379 = vector.shape_cast %broadcast_in_dim3A_378 : vector<16x1xi32> to vector<16xi32>
        %gather3A_380 = tpu.dynamic_gather %add3A_370[%gather3A_379] in [0] : vector<16xf32>, vector<16xi32> -> vector<16xf32>
        %add3A_381 = arith.addf %add3A_370, %gather3A_380 : vector<16xf32>
        %mul3A_382 = arith.constant 2.500000e-01 : f32
        %mul3A_383 = vector.broadcast %mul3A_382 : f32 to vector<16xf32>
        %mul3A_384 = arith.mulf %add3A_381, %mul3A_383 : vector<16xf32>
        %exp3A_385 = math.exp %mul3A_384 : vector<16xf32>
        %get3A_386 = arith.index_cast %scan3A_111 : i32 to index
        %get3A_387 = arith.constant 176 : index
        %get3A_388 = tpu.vector_load %arg13[%get3A_386, %get3A_387] {strides = array<i32>} : memref<40x256xf32, #tpu.memory_space<vmem>>, vector<1x16xf32>,
        %get3A_389 = vector.shape_cast %get3A_388 : vector<1x16xf32> to vector<16xf32>
        %mul3A_390 = arith.mulf %exp3A_385, %get3A_389 : vector<16xf32>
        %swap3A_391 = arith.index_cast %scan3A_111 : i32 to index
        %swap3A_392 = arith.constant 48 : index
        %swap3A_393 = tpu.vector_load %arg14[%swap3A_391, %swap3A_392] {strides = array<i32>} : memref<40x144xf32, #tpu.memory_space<vmem>>, vector<1x16xf32>,
        %swap3A_394 = vector.shape_cast %swap3A_393 : vector<1x16xf32> to vector<16xf32>
        %swap3A_395 = vector.shape_cast %mul3A_390 : vector<16xf32> to vector<1x16xf32>
        tpu.vector_store %arg14[%swap3A_391, %swap3A_392], %swap3A_395 {strides = array<i32>} : memref<40x144xf32, #tpu.memory_space<vmem>>, vector<1x16xf32>,
        %eq3A_396 = arith.constant 3 : i32
        %eq3A_397 = vector.broadcast %eq3A_396 : i32 to vector<16xi32>
        %eq3A_398 = arith.cmpi eq, %iota3A, %eq3A_397 : vector<16xi32>
        %jit3A_399 = arith.constant 0.000000e+00 : f32
        %broadcast_in_dim3A_400 = vector.broadcast %jit3A_399 : f32 to vector<16xf32>
        %select_n3A_401 = arith.select %eq3A_398, %exp3A_385, %broadcast_in_dim3A_400 : vector<16xi1>, vector<16xf32>
        %add3A_402 = arith.addf %add3A_328, %select_n3A_401 : vector<16xf32>
        %get3A_403 = arith.index_cast %scan3A_111 : i32 to index
        %get3A_404 = arith.constant 64 : index
        %get3A_405 = tpu.vector_load %arg12[%get3A_403, %get3A_404] {strides = array<i32>} : memref<40x128xf32, #tpu.memory_space<vmem>>, vector<1x16xf32>,
        %get3A_406 = vector.shape_cast %get3A_405 : vector<1x16xf32> to vector<16xf32>
        %get3A_407 = arith.index_cast %scan3A_111 : i32 to index
        %get3A_408 = arith.constant 64 : index
        %get3A_409 = tpu.vector_load %arg13[%get3A_407, %get3A_408] {strides = array<i32>} : memref<40x256xf32, #tpu.memory_space<vmem>>, vector<1x16xf32>,
        %get3A_410 = vector.shape_cast %get3A_409 : vector<1x16xf32> to vector<16xf32>
        %mul3A_411 = arith.mulf %get3A_406, %get3A_410 : vector<16xf32>
        %lt3A_412 = arith.constant 0 : i32
        %lt3A_413 = vector.broadcast %lt3A_412 : i32 to vector<16xi32>
        %lt3A_414 = arith.cmpi slt, %xor3A_6, %lt3A_413 : vector<16xi32>
        %add3A_415 = arith.constant 16 : i32
        %add3A_416 = vector.broadcast %add3A_415 : i32 to vector<16xi32>
        %add3A_417 = arith.addi %xor3A_6, %add3A_416 : vector<16xi32>
        %select_n3A_418 = arith.select %lt3A_414, %add3A_417, %xor3A_6 : vector<16xi1>, vector<16xi32>
        %broadcast_in_dim3A_419 = vector.shape_cast %select_n3A_418 : vector<16xi32> to vector<16x1xi32>
        %gather3A_420 = vector.shape_cast %broadcast_in_dim3A_419 : vector<16x1xi32> to vector<16xi32>
        %gather3A_421 = tpu.dynamic_gather %mul3A_411[%gather3A_420] in [0] : vector<16xf32>, vector<16xi32> -> vector<16xf32>
        %add3A_422 = arith.addf %mul3A_411, %gather3A_421 : vector<16xf32>
        %lt3A_423 = arith.constant 0 : i32
        %lt3A_424 = vector.broadcast %lt3A_423 : i32 to vector<16xi32>
        %lt3A_425 = arith.cmpi slt, %xor3A_9, %lt3A_424 : vector<16xi32>
        %add3A_426 = arith.constant 16 : i32
        %add3A_427 = vector.broadcast %add3A_426 : i32 to vector<16xi32>
        %add3A_428 = arith.addi %xor3A_9, %add3A_427 : vector<16xi32>
        %select_n3A_429 = arith.select %lt3A_425, %add3A_428, %xor3A_9 : vector<16xi1>, vector<16xi32>
        %broadcast_in_dim3A_430 = vector.shape_cast %select_n3A_429 : vector<16xi32> to vector<16x1xi32>
        %gather3A_431 = vector.shape_cast %broadcast_in_dim3A_430 : vector<16x1xi32> to vector<16xi32>
        %gather3A_432 = tpu.dynamic_gather %add3A_422[%gather3A_431] in [0] : vector<16xf32>, vector<16xi32> -> vector<16xf32>
        %add3A_433 = arith.addf %add3A_422, %gather3A_432 : vector<16xf32>
        %lt3A_434 = arith.constant 0 : i32
        %lt3A_435 = vector.broadcast %lt3A_434 : i32 to vector<16xi32>
        %lt3A_436 = arith.cmpi slt, %xor3A_12, %lt3A_435 : vector<16xi32>
        %add3A_437 = arith.constant 16 : i32
        %add3A_438 = vector.broadcast %add3A_437 : i32 to vector<16xi32>
        %add3A_439 = arith.addi %xor3A_12, %add3A_438 : vector<16xi32>
        %select_n3A_440 = arith.select %lt3A_436, %add3A_439, %xor3A_12 : vector<16xi1>, vector<16xi32>
        %broadcast_in_dim3A_441 = vector.shape_cast %select_n3A_440 : vector<16xi32> to vector<16x1xi32>
        %gather3A_442 = vector.shape_cast %broadcast_in_dim3A_441 : vector<16x1xi32> to vector<16xi32>
        %gather3A_443 = tpu.dynamic_gather %add3A_433[%gather3A_442] in [0] : vector<16xf32>, vector<16xi32> -> vector<16xf32>
        %add3A_444 = arith.addf %add3A_433, %gather3A_443 : vector<16xf32>
        %lt3A_445 = arith.constant 0 : i32
        %lt3A_446 = vector.broadcast %lt3A_445 : i32 to vector<16xi32>
        %lt3A_447 = arith.cmpi slt, %xor3A_15, %lt3A_446 : vector<16xi32>
        %add3A_448 = arith.constant 16 : i32
        %add3A_449 = vector.broadcast %add3A_448 : i32 to vector<16xi32>
        %add3A_450 = arith.addi %xor3A_15, %add3A_449 : vector<16xi32>
        %select_n3A_451 = arith.select %lt3A_447, %add3A_450, %xor3A_15 : vector<16xi1>, vector<16xi32>
        %broadcast_in_dim3A_452 = vector.shape_cast %select_n3A_451 : vector<16xi32> to vector<16x1xi32>
        %gather3A_453 = vector.shape_cast %broadcast_in_dim3A_452 : vector<16x1xi32> to vector<16xi32>
        %gather3A_454 = tpu.dynamic_gather %add3A_444[%gather3A_453] in [0] : vector<16xf32>, vector<16xi32> -> vector<16xf32>
        %add3A_455 = arith.addf %add3A_444, %gather3A_454 : vector<16xf32>
        %mul3A_456 = arith.constant 2.500000e-01 : f32
        %mul3A_457 = vector.broadcast %mul3A_456 : f32 to vector<16xf32>
        %mul3A_458 = arith.mulf %add3A_455, %mul3A_457 : vector<16xf32>
        %exp3A_459 = math.exp %mul3A_458 : vector<16xf32>
        %get3A_460 = arith.index_cast %scan3A_111 : i32 to index
        %get3A_461 = arith.constant 192 : index
        %get3A_462 = tpu.vector_load %arg13[%get3A_460, %get3A_461] {strides = array<i32>} : memref<40x256xf32, #tpu.memory_space<vmem>>, vector<1x16xf32>,
        %get3A_463 = vector.shape_cast %get3A_462 : vector<1x16xf32> to vector<16xf32>
        %mul3A_464 = arith.mulf %exp3A_459, %get3A_463 : vector<16xf32>
        %swap3A_465 = arith.index_cast %scan3A_111 : i32 to index
        %swap3A_466 = arith.constant 64 : index
        %swap3A_467 = tpu.vector_load %arg14[%swap3A_465, %swap3A_466] {strides = array<i32>} : memref<40x144xf32, #tpu.memory_space<vmem>>, vector<1x16xf32>,
        %swap3A_468 = vector.shape_cast %swap3A_467 : vector<1x16xf32> to vector<16xf32>
        %swap3A_469 = vector.shape_cast %mul3A_464 : vector<16xf32> to vector<1x16xf32>
        tpu.vector_store %arg14[%swap3A_465, %swap3A_466], %swap3A_469 {strides = array<i32>} : memref<40x144xf32, #tpu.memory_space<vmem>>, vector<1x16xf32>,
        %eq3A_470 = arith.constant 4 : i32
        %eq3A_471 = vector.broadcast %eq3A_470 : i32 to vector<16xi32>
        %eq3A_472 = arith.cmpi eq, %iota3A, %eq3A_471 : vector<16xi32>
        %jit3A_473 = arith.constant 0.000000e+00 : f32
        %broadcast_in_dim3A_474 = vector.broadcast %jit3A_473 : f32 to vector<16xf32>
        %select_n3A_475 = arith.select %eq3A_472, %exp3A_459, %broadcast_in_dim3A_474 : vector<16xi1>, vector<16xf32>
        %add3A_476 = arith.addf %add3A_402, %select_n3A_475 : vector<16xf32>
        %get3A_477 = arith.index_cast %scan3A_111 : i32 to index
        %get3A_478 = arith.constant 80 : index
        %get3A_479 = tpu.vector_load %arg12[%get3A_477, %get3A_478] {strides = array<i32>} : memref<40x128xf32, #tpu.memory_space<vmem>>, vector<1x16xf32>,
        %get3A_480 = vector.shape_cast %get3A_479 : vector<1x16xf32> to vector<16xf32>
        %get3A_481 = arith.index_cast %scan3A_111 : i32 to index
        %get3A_482 = arith.constant 80 : index
        %get3A_483 = tpu.vector_load %arg13[%get3A_481, %get3A_482] {strides = array<i32>} : memref<40x256xf32, #tpu.memory_space<vmem>>, vector<1x16xf32>,
        %get3A_484 = vector.shape_cast %get3A_483 : vector<1x16xf32> to vector<16xf32>
        %mul3A_485 = arith.mulf %get3A_480, %get3A_484 : vector<16xf32>
        %lt3A_486 = arith.constant 0 : i32
        %lt3A_487 = vector.broadcast %lt3A_486 : i32 to vector<16xi32>
        %lt3A_488 = arith.cmpi slt, %xor3A_6, %lt3A_487 : vector<16xi32>
        %add3A_489 = arith.constant 16 : i32
        %add3A_490 = vector.broadcast %add3A_489 : i32 to vector<16xi32>
        %add3A_491 = arith.addi %xor3A_6, %add3A_490 : vector<16xi32>
        %select_n3A_492 = arith.select %lt3A_488, %add3A_491, %xor3A_6 : vector<16xi1>, vector<16xi32>
        %broadcast_in_dim3A_493 = vector.shape_cast %select_n3A_492 : vector<16xi32> to vector<16x1xi32>
        %gather3A_494 = vector.shape_cast %broadcast_in_dim3A_493 : vector<16x1xi32> to vector<16xi32>
        %gather3A_495 = tpu.dynamic_gather %mul3A_485[%gather3A_494] in [0] : vector<16xf32>, vector<16xi32> -> vector<16xf32>
        %add3A_496 = arith.addf %mul3A_485, %gather3A_495 : vector<16xf32>
        %lt3A_497 = arith.constant 0 : i32
        %lt3A_498 = vector.broadcast %lt3A_497 : i32 to vector<16xi32>
        %lt3A_499 = arith.cmpi slt, %xor3A_9, %lt3A_498 : vector<16xi32>
        %add3A_500 = arith.constant 16 : i32
        %add3A_501 = vector.broadcast %add3A_500 : i32 to vector<16xi32>
        %add3A_502 = arith.addi %xor3A_9, %add3A_501 : vector<16xi32>
        %select_n3A_503 = arith.select %lt3A_499, %add3A_502, %xor3A_9 : vector<16xi1>, vector<16xi32>
        %broadcast_in_dim3A_504 = vector.shape_cast %select_n3A_503 : vector<16xi32> to vector<16x1xi32>
        %gather3A_505 = vector.shape_cast %broadcast_in_dim3A_504 : vector<16x1xi32> to vector<16xi32>
        %gather3A_506 = tpu.dynamic_gather %add3A_496[%gather3A_505] in [0] : vector<16xf32>, vector<16xi32> -> vector<16xf32>
        %add3A_507 = arith.addf %add3A_496, %gather3A_506 : vector<16xf32>
        %lt3A_508 = arith.constant 0 : i32
        %lt3A_509 = vector.broadcast %lt3A_508 : i32 to vector<16xi32>
        %lt3A_510 = arith.cmpi slt, %xor3A_12, %lt3A_509 : vector<16xi32>
        %add3A_511 = arith.constant 16 : i32
        %add3A_512 = vector.broadcast %add3A_511 : i32 to vector<16xi32>
        %add3A_513 = arith.addi %xor3A_12, %add3A_512 : vector<16xi32>
        %select_n3A_514 = arith.select %lt3A_510, %add3A_513, %xor3A_12 : vector<16xi1>, vector<16xi32>
        %broadcast_in_dim3A_515 = vector.shape_cast %select_n3A_514 : vector<16xi32> to vector<16x1xi32>
        %gather3A_516 = vector.shape_cast %broadcast_in_dim3A_515 : vector<16x1xi32> to vector<16xi32>
        %gather3A_517 = tpu.dynamic_gather %add3A_507[%gather3A_516] in [0] : vector<16xf32>, vector<16xi32> -> vector<16xf32>
        %add3A_518 = arith.addf %add3A_507, %gather3A_517 : vector<16xf32>
        %lt3A_519 = arith.constant 0 : i32
        %lt3A_520 = vector.broadcast %lt3A_519 : i32 to vector<16xi32>
        %lt3A_521 = arith.cmpi slt, %xor3A_15, %lt3A_520 : vector<16xi32>
        %add3A_522 = arith.constant 16 : i32
        %add3A_523 = vector.broadcast %add3A_522 : i32 to vector<16xi32>
        %add3A_524 = arith.addi %xor3A_15, %add3A_523 : vector<16xi32>
        %select_n3A_525 = arith.select %lt3A_521, %add3A_524, %xor3A_15 : vector<16xi1>, vector<16xi32>
        %broadcast_in_dim3A_526 = vector.shape_cast %select_n3A_525 : vector<16xi32> to vector<16x1xi32>
        %gather3A_527 = vector.shape_cast %broadcast_in_dim3A_526 : vector<16x1xi32> to vector<16xi32>
        %gather3A_528 = tpu.dynamic_gather %add3A_518[%gather3A_527] in [0] : vector<16xf32>, vector<16xi32> -> vector<16xf32>
        %add3A_529 = arith.addf %add3A_518, %gather3A_528 : vector<16xf32>
        %mul3A_530 = arith.constant 2.500000e-01 : f32
        %mul3A_531 = vector.broadcast %mul3A_530 : f32 to vector<16xf32>
        %mul3A_532 = arith.mulf %add3A_529, %mul3A_531 : vector<16xf32>
        %exp3A_533 = math.exp %mul3A_532 : vector<16xf32>
        %get3A_534 = arith.index_cast %scan3A_111 : i32 to index
        %get3A_535 = arith.constant 208 : index
        %get3A_536 = tpu.vector_load %arg13[%get3A_534, %get3A_535] {strides = array<i32>} : memref<40x256xf32, #tpu.memory_space<vmem>>, vector<1x16xf32>,
        %get3A_537 = vector.shape_cast %get3A_536 : vector<1x16xf32> to vector<16xf32>
        %mul3A_538 = arith.mulf %exp3A_533, %get3A_537 : vector<16xf32>
        %swap3A_539 = arith.index_cast %scan3A_111 : i32 to index
        %swap3A_540 = arith.constant 80 : index
        %swap3A_541 = tpu.vector_load %arg14[%swap3A_539, %swap3A_540] {strides = array<i32>} : memref<40x144xf32, #tpu.memory_space<vmem>>, vector<1x16xf32>,
        %swap3A_542 = vector.shape_cast %swap3A_541 : vector<1x16xf32> to vector<16xf32>
        %swap3A_543 = vector.shape_cast %mul3A_538 : vector<16xf32> to vector<1x16xf32>
        tpu.vector_store %arg14[%swap3A_539, %swap3A_540], %swap3A_543 {strides = array<i32>} : memref<40x144xf32, #tpu.memory_space<vmem>>, vector<1x16xf32>,
        %eq3A_544 = arith.constant 5 : i32
        %eq3A_545 = vector.broadcast %eq3A_544 : i32 to vector<16xi32>
        %eq3A_546 = arith.cmpi eq, %iota3A, %eq3A_545 : vector<16xi32>
        %jit3A_547 = arith.constant 0.000000e+00 : f32
        %broadcast_in_dim3A_548 = vector.broadcast %jit3A_547 : f32 to vector<16xf32>
        %select_n3A_549 = arith.select %eq3A_546, %exp3A_533, %broadcast_in_dim3A_548 : vector<16xi1>, vector<16xf32>
        %add3A_550 = arith.addf %add3A_476, %select_n3A_549 : vector<16xf32>
        %get3A_551 = arith.index_cast %scan3A_111 : i32 to index
        %get3A_552 = arith.constant 96 : index
        %get3A_553 = tpu.vector_load %arg12[%get3A_551, %get3A_552] {strides = array<i32>} : memref<40x128xf32, #tpu.memory_space<vmem>>, vector<1x16xf32>,
        %get3A_554 = vector.shape_cast %get3A_553 : vector<1x16xf32> to vector<16xf32>
        %get3A_555 = arith.index_cast %scan3A_111 : i32 to index
        %get3A_556 = arith.constant 96 : index
        %get3A_557 = tpu.vector_load %arg13[%get3A_555, %get3A_556] {strides = array<i32>} : memref<40x256xf32, #tpu.memory_space<vmem>>, vector<1x16xf32>,
        %get3A_558 = vector.shape_cast %get3A_557 : vector<1x16xf32> to vector<16xf32>
        %mul3A_559 = arith.mulf %get3A_554, %get3A_558 : vector<16xf32>
        %lt3A_560 = arith.constant 0 : i32
        %lt3A_561 = vector.broadcast %lt3A_560 : i32 to vector<16xi32>
        %lt3A_562 = arith.cmpi slt, %xor3A_6, %lt3A_561 : vector<16xi32>
        %add3A_563 = arith.constant 16 : i32
        %add3A_564 = vector.broadcast %add3A_563 : i32 to vector<16xi32>
        %add3A_565 = arith.addi %xor3A_6, %add3A_564 : vector<16xi32>
        %select_n3A_566 = arith.select %lt3A_562, %add3A_565, %xor3A_6 : vector<16xi1>, vector<16xi32>
        %broadcast_in_dim3A_567 = vector.shape_cast %select_n3A_566 : vector<16xi32> to vector<16x1xi32>
        %gather3A_568 = vector.shape_cast %broadcast_in_dim3A_567 : vector<16x1xi32> to vector<16xi32>
        %gather3A_569 = tpu.dynamic_gather %mul3A_559[%gather3A_568] in [0] : vector<16xf32>, vector<16xi32> -> vector<16xf32>
        %add3A_570 = arith.addf %mul3A_559, %gather3A_569 : vector<16xf32>
        %lt3A_571 = arith.constant 0 : i32
        %lt3A_572 = vector.broadcast %lt3A_571 : i32 to vector<16xi32>
        %lt3A_573 = arith.cmpi slt, %xor3A_9, %lt3A_572 : vector<16xi32>
        %add3A_574 = arith.constant 16 : i32
        %add3A_575 = vector.broadcast %add3A_574 : i32 to vector<16xi32>
        %add3A_576 = arith.addi %xor3A_9, %add3A_575 : vector<16xi32>
        %select_n3A_577 = arith.select %lt3A_573, %add3A_576, %xor3A_9 : vector<16xi1>, vector<16xi32>
        %broadcast_in_dim3A_578 = vector.shape_cast %select_n3A_577 : vector<16xi32> to vector<16x1xi32>
        %gather3A_579 = vector.shape_cast %broadcast_in_dim3A_578 : vector<16x1xi32> to vector<16xi32>
        %gather3A_580 = tpu.dynamic_gather %add3A_570[%gather3A_579] in [0] : vector<16xf32>, vector<16xi32> -> vector<16xf32>
        %add3A_581 = arith.addf %add3A_570, %gather3A_580 : vector<16xf32>
        %lt3A_582 = arith.constant 0 : i32
        %lt3A_583 = vector.broadcast %lt3A_582 : i32 to vector<16xi32>
        %lt3A_584 = arith.cmpi slt, %xor3A_12, %lt3A_583 : vector<16xi32>
        %add3A_585 = arith.constant 16 : i32
        %add3A_586 = vector.broadcast %add3A_585 : i32 to vector<16xi32>
        %add3A_587 = arith.addi %xor3A_12, %add3A_586 : vector<16xi32>
        %select_n3A_588 = arith.select %lt3A_584, %add3A_587, %xor3A_12 : vector<16xi1>, vector<16xi32>
        %broadcast_in_dim3A_589 = vector.shape_cast %select_n3A_588 : vector<16xi32> to vector<16x1xi32>
        %gather3A_590 = vector.shape_cast %broadcast_in_dim3A_589 : vector<16x1xi32> to vector<16xi32>
        %gather3A_591 = tpu.dynamic_gather %add3A_581[%gather3A_590] in [0] : vector<16xf32>, vector<16xi32> -> vector<16xf32>
        %add3A_592 = arith.addf %add3A_581, %gather3A_591 : vector<16xf32>
        %lt3A_593 = arith.constant 0 : i32
        %lt3A_594 = vector.broadcast %lt3A_593 : i32 to vector<16xi32>
        %lt3A_595 = arith.cmpi slt, %xor3A_15, %lt3A_594 : vector<16xi32>
        %add3A_596 = arith.constant 16 : i32
        %add3A_597 = vector.broadcast %add3A_596 : i32 to vector<16xi32>
        %add3A_598 = arith.addi %xor3A_15, %add3A_597 : vector<16xi32>
        %select_n3A_599 = arith.select %lt3A_595, %add3A_598, %xor3A_15 : vector<16xi1>, vector<16xi32>
        %broadcast_in_dim3A_600 = vector.shape_cast %select_n3A_599 : vector<16xi32> to vector<16x1xi32>
        %gather3A_601 = vector.shape_cast %broadcast_in_dim3A_600 : vector<16x1xi32> to vector<16xi32>
        %gather3A_602 = tpu.dynamic_gather %add3A_592[%gather3A_601] in [0] : vector<16xf32>, vector<16xi32> -> vector<16xf32>
        %add3A_603 = arith.addf %add3A_592, %gather3A_602 : vector<16xf32>
        %mul3A_604 = arith.constant 2.500000e-01 : f32
        %mul3A_605 = vector.broadcast %mul3A_604 : f32 to vector<16xf32>
        %mul3A_606 = arith.mulf %add3A_603, %mul3A_605 : vector<16xf32>
        %exp3A_607 = math.exp %mul3A_606 : vector<16xf32>
        %get3A_608 = arith.index_cast %scan3A_111 : i32 to index
        %get3A_609 = arith.constant 224 : index
        %get3A_610 = tpu.vector_load %arg13[%get3A_608, %get3A_609] {strides = array<i32>} : memref<40x256xf32, #tpu.memory_space<vmem>>, vector<1x16xf32>,
        %get3A_611 = vector.shape_cast %get3A_610 : vector<1x16xf32> to vector<16xf32>
        %mul3A_612 = arith.mulf %exp3A_607, %get3A_611 : vector<16xf32>
        %swap3A_613 = arith.index_cast %scan3A_111 : i32 to index
        %swap3A_614 = arith.constant 96 : index
        %swap3A_615 = tpu.vector_load %arg14[%swap3A_613, %swap3A_614] {strides = array<i32>} : memref<40x144xf32, #tpu.memory_space<vmem>>, vector<1x16xf32>,
        %swap3A_616 = vector.shape_cast %swap3A_615 : vector<1x16xf32> to vector<16xf32>
        %swap3A_617 = vector.shape_cast %mul3A_612 : vector<16xf32> to vector<1x16xf32>
        tpu.vector_store %arg14[%swap3A_613, %swap3A_614], %swap3A_617 {strides = array<i32>} : memref<40x144xf32, #tpu.memory_space<vmem>>, vector<1x16xf32>,
        %eq3A_618 = arith.constant 6 : i32
        %eq3A_619 = vector.broadcast %eq3A_618 : i32 to vector<16xi32>
        %eq3A_620 = arith.cmpi eq, %iota3A, %eq3A_619 : vector<16xi32>
        %jit3A_621 = arith.constant 0.000000e+00 : f32
        %broadcast_in_dim3A_622 = vector.broadcast %jit3A_621 : f32 to vector<16xf32>
        %select_n3A_623 = arith.select %eq3A_620, %exp3A_607, %broadcast_in_dim3A_622 : vector<16xi1>, vector<16xf32>
        %add3A_624 = arith.addf %add3A_550, %select_n3A_623 : vector<16xf32>
        %get3A_625 = arith.index_cast %scan3A_111 : i32 to index
        %get3A_626 = arith.constant 112 : index
        %get3A_627 = tpu.vector_load %arg12[%get3A_625, %get3A_626] {strides = array<i32>} : memref<40x128xf32, #tpu.memory_space<vmem>>, vector<1x16xf32>,
        %get3A_628 = vector.shape_cast %get3A_627 : vector<1x16xf32> to vector<16xf32>
        %get3A_629 = arith.index_cast %scan3A_111 : i32 to index
        %get3A_630 = arith.constant 112 : index
        %get3A_631 = tpu.vector_load %arg13[%get3A_629, %get3A_630] {strides = array<i32>} : memref<40x256xf32, #tpu.memory_space<vmem>>, vector<1x16xf32>,
        %get3A_632 = vector.shape_cast %get3A_631 : vector<1x16xf32> to vector<16xf32>
        %mul3A_633 = arith.mulf %get3A_628, %get3A_632 : vector<16xf32>
        %lt3A_634 = arith.constant 0 : i32
        %lt3A_635 = vector.broadcast %lt3A_634 : i32 to vector<16xi32>
        %lt3A_636 = arith.cmpi slt, %xor3A_6, %lt3A_635 : vector<16xi32>
        %add3A_637 = arith.constant 16 : i32
        %add3A_638 = vector.broadcast %add3A_637 : i32 to vector<16xi32>
        %add3A_639 = arith.addi %xor3A_6, %add3A_638 : vector<16xi32>
        %select_n3A_640 = arith.select %lt3A_636, %add3A_639, %xor3A_6 : vector<16xi1>, vector<16xi32>
        %broadcast_in_dim3A_641 = vector.shape_cast %select_n3A_640 : vector<16xi32> to vector<16x1xi32>
        %gather3A_642 = vector.shape_cast %broadcast_in_dim3A_641 : vector<16x1xi32> to vector<16xi32>
        %gather3A_643 = tpu.dynamic_gather %mul3A_633[%gather3A_642] in [0] : vector<16xf32>, vector<16xi32> -> vector<16xf32>
        %add3A_644 = arith.addf %mul3A_633, %gather3A_643 : vector<16xf32>
        %lt3A_645 = arith.constant 0 : i32
        %lt3A_646 = vector.broadcast %lt3A_645 : i32 to vector<16xi32>
        %lt3A_647 = arith.cmpi slt, %xor3A_9, %lt3A_646 : vector<16xi32>
        %add3A_648 = arith.constant 16 : i32
        %add3A_649 = vector.broadcast %add3A_648 : i32 to vector<16xi32>
        %add3A_650 = arith.addi %xor3A_9, %add3A_649 : vector<16xi32>
        %select_n3A_651 = arith.select %lt3A_647, %add3A_650, %xor3A_9 : vector<16xi1>, vector<16xi32>
        %broadcast_in_dim3A_652 = vector.shape_cast %select_n3A_651 : vector<16xi32> to vector<16x1xi32>
        %gather3A_653 = vector.shape_cast %broadcast_in_dim3A_652 : vector<16x1xi32> to vector<16xi32>
        %gather3A_654 = tpu.dynamic_gather %add3A_644[%gather3A_653] in [0] : vector<16xf32>, vector<16xi32> -> vector<16xf32>
        %add3A_655 = arith.addf %add3A_644, %gather3A_654 : vector<16xf32>
        %lt3A_656 = arith.constant 0 : i32
        %lt3A_657 = vector.broadcast %lt3A_656 : i32 to vector<16xi32>
        %lt3A_658 = arith.cmpi slt, %xor3A_12, %lt3A_657 : vector<16xi32>
        %add3A_659 = arith.constant 16 : i32
        %add3A_660 = vector.broadcast %add3A_659 : i32 to vector<16xi32>
        %add3A_661 = arith.addi %xor3A_12, %add3A_660 : vector<16xi32>
        %select_n3A_662 = arith.select %lt3A_658, %add3A_661, %xor3A_12 : vector<16xi1>, vector<16xi32>
        %broadcast_in_dim3A_663 = vector.shape_cast %select_n3A_662 : vector<16xi32> to vector<16x1xi32>
        %gather3A_664 = vector.shape_cast %broadcast_in_dim3A_663 : vector<16x1xi32> to vector<16xi32>
        %gather3A_665 = tpu.dynamic_gather %add3A_655[%gather3A_664] in [0] : vector<16xf32>, vector<16xi32> -> vector<16xf32>
        %add3A_666 = arith.addf %add3A_655, %gather3A_665 : vector<16xf32>
        %lt3A_667 = arith.constant 0 : i32
        %lt3A_668 = vector.broadcast %lt3A_667 : i32 to vector<16xi32>
        %lt3A_669 = arith.cmpi slt, %xor3A_15, %lt3A_668 : vector<16xi32>
        %add3A_670 = arith.constant 16 : i32
        %add3A_671 = vector.broadcast %add3A_670 : i32 to vector<16xi32>
        %add3A_672 = arith.addi %xor3A_15, %add3A_671 : vector<16xi32>
        %select_n3A_673 = arith.select %lt3A_669, %add3A_672, %xor3A_15 : vector<16xi1>, vector<16xi32>
        %broadcast_in_dim3A_674 = vector.shape_cast %select_n3A_673 : vector<16xi32> to vector<16x1xi32>
        %gather3A_675 = vector.shape_cast %broadcast_in_dim3A_674 : vector<16x1xi32> to vector<16xi32>
        %gather3A_676 = tpu.dynamic_gather %add3A_666[%gather3A_675] in [0] : vector<16xf32>, vector<16xi32> -> vector<16xf32>
        %add3A_677 = arith.addf %add3A_666, %gather3A_676 : vector<16xf32>
        %mul3A_678 = arith.constant 2.500000e-01 : f32
        %mul3A_679 = vector.broadcast %mul3A_678 : f32 to vector<16xf32>
        %mul3A_680 = arith.mulf %add3A_677, %mul3A_679 : vector<16xf32>
        %exp3A_681 = math.exp %mul3A_680 : vector<16xf32>
        %get3A_682 = arith.index_cast %scan3A_111 : i32 to index
        %get3A_683 = arith.constant 240 : index
        %get3A_684 = tpu.vector_load %arg13[%get3A_682, %get3A_683] {strides = array<i32>} : memref<40x256xf32, #tpu.memory_space<vmem>>, vector<1x16xf32>,
        %get3A_685 = vector.shape_cast %get3A_684 : vector<1x16xf32> to vector<16xf32>
        %mul3A_686 = arith.mulf %exp3A_681, %get3A_685 : vector<16xf32>
        %swap3A_687 = arith.index_cast %scan3A_111 : i32 to index
        %swap3A_688 = arith.constant 112 : index
        %swap3A_689 = tpu.vector_load %arg14[%swap3A_687, %swap3A_688] {strides = array<i32>} : memref<40x144xf32, #tpu.memory_space<vmem>>, vector<1x16xf32>,
        %swap3A_690 = vector.shape_cast %swap3A_689 : vector<1x16xf32> to vector<16xf32>
        %swap3A_691 = vector.shape_cast %mul3A_686 : vector<16xf32> to vector<1x16xf32>
        tpu.vector_store %arg14[%swap3A_687, %swap3A_688], %swap3A_691 {strides = array<i32>} : memref<40x144xf32, #tpu.memory_space<vmem>>, vector<1x16xf32>,
        %eq3A_692 = arith.constant 7 : i32
        %eq3A_693 = vector.broadcast %eq3A_692 : i32 to vector<16xi32>
        %eq3A_694 = arith.cmpi eq, %iota3A, %eq3A_693 : vector<16xi32>
        %jit3A_695 = arith.constant 0.000000e+00 : f32
        %broadcast_in_dim3A_696 = vector.broadcast %jit3A_695 : f32 to vector<16xf32>
        %select_n3A_697 = arith.select %eq3A_694, %exp3A_681, %broadcast_in_dim3A_696 : vector<16xi1>, vector<16xf32>
        %add3A_698 = arith.addf %add3A_624, %select_n3A_697 : vector<16xf32>
        %swap3A_699 = arith.index_cast %scan3A_111 : i32 to index
        %swap3A_700 = arith.constant 128 : index
        %swap3A_701 = tpu.vector_load %arg14[%swap3A_699, %swap3A_700] {strides = array<i32>} : memref<40x144xf32, #tpu.memory_space<vmem>>, vector<1x16xf32>,
        %swap3A_702 = vector.shape_cast %swap3A_701 : vector<1x16xf32> to vector<16xf32>
        %swap3A_703 = vector.shape_cast %add3A_698 : vector<16xf32> to vector<1x16xf32>
        tpu.vector_store %arg14[%swap3A_699, %swap3A_700], %swap3A_703 {strides = array<i32>} : memref<40x144xf32, #tpu.memory_space<vmem>>, vector<1x16xf32>,
      }
      %scan3A_110 = arith.constant 40 : i32
      "tpu.region"() ({
        %run_scoped3A = tpu.sem_alloc : memref<!tpu.dma_semaphore, #tpu.memory_space<semaphore_mem>>
        %dma_start3A_111 = arith.constant 0 : i32
        %dma_start3A_112 = tpu.memref_slice %arg8[%add3A_50, %dma_start3A_111] : memref<20x40xi32, #tpu.memory_space<vmem>> -> memref<1x40xi32, #tpu.memory_space<vmem>>
        %dma_start3A_113 = tpu.memref_squeeze %dma_start3A_112 : memref<1x40xi32, #tpu.memory_space<vmem>> -> memref<40xi32, #tpu.memory_space<vmem>>
        %dma_start3A_114 = arith.constant 0 : i32
        %dma_start3A_115 = arith.constant 0 : i32
        %dma_start3A_116 = tpu.memref_slice %arg15[%dma_start3A_114, %dma_start3A_115] : memref<10000x144xf32, #tpu.memory_space<vmem_shared>> -> memref<10000x144xf32, #tpu.memory_space<vmem_shared>>
        tpu.enqueue_indirect_dma source(%arg14 : memref<40x144xf32, #tpu.memory_space<vmem>>) target(%dma_start3A_116 : memref<10000x144xf32, #tpu.memory_space<vmem_shared>>) offsets(%dma_start3A_113 : memref<40xi32, #tpu.memory_space<vmem>>) semaphore(%run_scoped3A : memref<!tpu.dma_semaphore, #tpu.memory_space<semaphore_mem>>) {add = true}
        %dma_wait3A_117 = arith.constant 0 : i32
        %dma_wait3A_118 = tpu.memref_slice %arg8[%add3A_50, %dma_wait3A_117] : memref<20x40xi32, #tpu.memory_space<vmem>> -> memref<1x40xi32, #tpu.memory_space<vmem>>
        %dma_wait3A_119 = tpu.memref_squeeze %dma_wait3A_118 : memref<1x40xi32, #tpu.memory_space<vmem>> -> memref<40xi32, #tpu.memory_space<vmem>>
        %dma_wait3A_120 = arith.constant 0 : i32
        %dma_wait3A_121 = arith.constant 0 : i32
        %dma_wait3A_122 = tpu.memref_slice %arg15[%dma_wait3A_120, %dma_wait3A_121] : memref<10000x144xf32, #tpu.memory_space<vmem_shared>> -> memref<10000x144xf32, #tpu.memory_space<vmem_shared>>
        tpu.wait_indirect_dma semaphore(%run_scoped3A : memref<!tpu.dma_semaphore, #tpu.memory_space<semaphore_mem>>) src(%arg14 : memref<40x144xf32, #tpu.memory_space<vmem>>) dst(%dma_wait3A_122 : memref<10000x144xf32, #tpu.memory_space<vmem_shared>>)
        tpu.yield
      }) : () -> ()
    }
    %scan3A_39 = arith.constant 125 : i32
    %barrier3A_40 = arith.constant 0 : index
    tpu.barrier barrier_id(%barrier3A_40)
    %mul3A_41 = arith.constant 625 : i32
    %mul3A_42 = arith.muli %arg1, %mul3A_41 : i32
    %mul3A_43 = arith.constant 625 : i32
    %mul3A_44 = arith.muli %arg1, %mul3A_43 : i32
    "tpu.region"() ({
      %run_scoped3A = tpu.sem_alloc : memref<!tpu.dma_semaphore, #tpu.memory_space<semaphore_mem>>
      %dma_start3A_45 = arith.constant 0 : i32
      %dma_start3A_46 = tpu.memref_slice %arg7[%arg0, %mul3A_44, %dma_start3A_45] : memref<2x10000x144xf32, #tpu.memory_space<hbm>> -> memref<1x625x144xf32, #tpu.memory_space<hbm>>
      %dma_start3A_47 = tpu.memref_squeeze %dma_start3A_46 : memref<1x625x144xf32, #tpu.memory_space<hbm>> -> memref<625x144xf32, #tpu.memory_space<hbm>>
      %dma_start3A_48 = arith.constant 0 : i32
      %dma_start3A_49 = tpu.memref_slice %arg15[%mul3A_42, %dma_start3A_48] : memref<10000x144xf32, #tpu.memory_space<vmem_shared>> -> memref<625x144xf32, #tpu.memory_space<vmem_shared>>
      tpu.enqueue_dma source(%dma_start3A_49 : memref<625x144xf32, #tpu.memory_space<vmem_shared>>) target(%dma_start3A_47 : memref<625x144xf32, #tpu.memory_space<hbm>>) target_semaphore(%run_scoped3A : memref<!tpu.dma_semaphore, #tpu.memory_space<semaphore_mem>>)
      %dma_wait3A = arith.constant 0 : i32
      %dma_wait3A_50 = tpu.memref_slice %arg7[%arg0, %mul3A_44, %dma_wait3A] : memref<2x10000x144xf32, #tpu.memory_space<hbm>> -> memref<1x625x144xf32, #tpu.memory_space<hbm>>
      %dma_wait3A_51 = tpu.memref_squeeze %dma_wait3A_50 : memref<1x625x144xf32, #tpu.memory_space<hbm>> -> memref<625x144xf32, #tpu.memory_space<hbm>>
      %dma_wait3A_52 = arith.constant 0 : i32
      %dma_wait3A_53 = tpu.memref_slice %arg15[%mul3A_42, %dma_wait3A_52] : memref<10000x144xf32, #tpu.memory_space<vmem_shared>> -> memref<625x144xf32, #tpu.memory_space<vmem_shared>>
      tpu.wait_dma2 semaphore(%run_scoped3A : memref<!tpu.dma_semaphore, #tpu.memory_space<semaphore_mem>>) src(%dma_wait3A_53 : memref<625x144xf32, #tpu.memory_space<vmem_shared>>) dst(%dma_wait3A_51 : memref<625x144xf32, #tpu.memory_space<hbm>>)
      tpu.yield
    }) : () -> ()
    return
  }
}

module attributes {stable_mosaic.version = 14 : i64} {
  func.func @_proj_body(%arg0: i32, %arg1: memref<400x128xf32, #tpu.memory_space<vmem>>, %arg2: memref<256x128xf32, #tpu.memory_space<vmem>>, %arg3: memref<400x256xf32, #tpu.memory_space<vmem>>) attributes {dimension_semantics = [#tpu.dimension_semantics<arbitrary>], iteration_bounds = array<i64: 25>, scalar_prefetch = 0 : i64, scratch_operands = 0 : i64, tpu.core_type = #tpu.core_type<tc>, window_params = [{transform_indices = @transform_0, window_bounds = array<i64: 400, 128>}, {pipeline_mode = #tpu.pipeline_mode<synchronous>, transform_indices = @transform_1, window_bounds = array<i64: 256, 128>}, {transform_indices = @transform_2, window_bounds = array<i64: 400, 256>}]} {
    %get3A = arith.constant 0 : index
    %get3A_0 = arith.constant 0 : index
    %get3A_1 = vector.load %arg1[%get3A, %get3A_0] : memref<400x128xf32, #tpu.memory_space<vmem>>, vector<400x128xf32>
    %get3A_2 = arith.constant 0 : index
    %get3A_3 = arith.constant 0 : index
    %get3A_4 = vector.load %arg2[%get3A_2, %get3A_3] : memref<256x128xf32, #tpu.memory_space<vmem>>, vector<256x128xf32>
    %dot_general3A = arith.constant dense<0.000000e+00> : vector<400x256xf32>
    %dot_general3A_5 = tpu.matmul %get3A_1, %get3A_4, %dot_general3A {dimension_numbers = #tpu.dot_dimension_numbers<[1], [1], [0], [0], [0, 0, 1, 0], [], []>, transpose_lhs_hint = false} : vector<400x128xf32>, vector<256x128xf32>, vector<400x256xf32> -> vector<400x256xf32>
    %swap3A = arith.constant 0 : index
    %swap3A_6 = arith.constant 0 : index
    %swap3A_7 = vector.load %arg3[%swap3A, %swap3A_6] : memref<400x256xf32, #tpu.memory_space<vmem>>, vector<400x256xf32>
    tpu.vector_store %arg3[%swap3A, %swap3A_6], %dot_general3A_5 {strides = array<i32>} : memref<400x256xf32, #tpu.memory_space<vmem>>, vector<400x256xf32>,
    return
  }
  func.func @transform_0(%arg0: i32) -> (i32, i32) {
    %c0_i32 = arith.constant 0 : i32
    %c0_i32_0 = arith.constant 0 : i32
    return %arg0, %c0_i32 : i32, i32
  }
  func.func @transform_1(%arg0: i32) -> (i32, i32) {
    %c0_i32 = arith.constant 0 : i32
    %c0_i32_0 = arith.constant 0 : i32
    %c0_i32_1 = arith.constant 0 : i32
    return %c0_i32, %c0_i32_0 : i32, i32
  }
  func.func @transform_2(%arg0: i32) -> (i32, i32) {
    %c0_i32 = arith.constant 0 : i32
    %c0_i32_0 = arith.constant 0 : i32
    return %arg0, %c0_i32 : i32, i32
  }
}

module attributes {stable_mosaic.version = 14 : i64} {
  func.func @_proj_body(%arg0: i32, %arg1: memref<400x128xf32, #tpu.memory_space<vmem>>, %arg2: memref<128x128xf32, #tpu.memory_space<vmem>>, %arg3: memref<400x128xf32, #tpu.memory_space<vmem>>) attributes {dimension_semantics = [#tpu.dimension_semantics<arbitrary>], iteration_bounds = array<i64: 25>, scalar_prefetch = 0 : i64, scratch_operands = 0 : i64, tpu.core_type = #tpu.core_type<tc>, window_params = [{transform_indices = @transform_0, window_bounds = array<i64: 400, 128>}, {pipeline_mode = #tpu.pipeline_mode<synchronous>, transform_indices = @transform_1, window_bounds = array<i64: 128, 128>}, {transform_indices = @transform_2, window_bounds = array<i64: 400, 128>}]} {
    %get3A = arith.constant 0 : index
    %get3A_0 = arith.constant 0 : index
    %get3A_1 = vector.load %arg1[%get3A, %get3A_0] : memref<400x128xf32, #tpu.memory_space<vmem>>, vector<400x128xf32>
    %get3A_2 = arith.constant 0 : index
    %get3A_3 = arith.constant 0 : index
    %get3A_4 = vector.load %arg2[%get3A_2, %get3A_3] : memref<128x128xf32, #tpu.memory_space<vmem>>, vector<128x128xf32>
    %dot_general3A = arith.constant dense<0.000000e+00> : vector<400x128xf32>
    %dot_general3A_5 = tpu.matmul %get3A_1, %get3A_4, %dot_general3A {dimension_numbers = #tpu.dot_dimension_numbers<[1], [1], [0], [0], [0, 0, 1, 0], [], []>, transpose_lhs_hint = false} : vector<400x128xf32>, vector<128x128xf32>, vector<400x128xf32> -> vector<400x128xf32>
    %swap3A = arith.constant 0 : index
    %swap3A_6 = arith.constant 0 : index
    %swap3A_7 = vector.load %arg3[%swap3A, %swap3A_6] : memref<400x128xf32, #tpu.memory_space<vmem>>, vector<400x128xf32>
    tpu.vector_store %arg3[%swap3A, %swap3A_6], %dot_general3A_5 {strides = array<i32>} : memref<400x128xf32, #tpu.memory_space<vmem>>, vector<400x128xf32>,
    return
  }
  func.func @transform_0(%arg0: i32) -> (i32, i32) {
    %c0_i32 = arith.constant 0 : i32
    %c0_i32_0 = arith.constant 0 : i32
    return %arg0, %c0_i32 : i32, i32
  }
  func.func @transform_1(%arg0: i32) -> (i32, i32) {
    %c0_i32 = arith.constant 0 : i32
    %c0_i32_0 = arith.constant 0 : i32
    %c0_i32_1 = arith.constant 0 : i32
    return %c0_i32, %c0_i32_0 : i32, i32
  }
  func.func @transform_2(%arg0: i32) -> (i32, i32) {
    %c0_i32 = arith.constant 0 : i32
    %c0_i32_0 = arith.constant 0 : i32
    return %arg0, %c0_i32 : i32, i32
  }
}

module attributes {stable_mosaic.version = 14 : i64} {
  func.func @_epi_body(%arg0: i32, %arg1: memref<400x144xf32, #tpu.memory_space<vmem>>, %arg2: memref<400x144xf32, #tpu.memory_space<vmem>>, %arg3: memref<8x128xf32, #tpu.memory_space<vmem>>, %arg4: memref<128x128xf32, #tpu.memory_space<vmem>>, %arg5: memref<1x128xf32, #tpu.memory_space<vmem>>, %arg6: memref<400x128xf32, #tpu.memory_space<vmem>>) attributes {dimension_semantics = [#tpu.dimension_semantics<arbitrary>], iteration_bounds = array<i64: 25>, scalar_prefetch = 0 : i64, scratch_operands = 0 : i64, tpu.core_type = #tpu.core_type<tc>, window_params = [{transform_indices = @transform_0, window_bounds = array<i64: 400, 144>}, {transform_indices = @transform_1, window_bounds = array<i64: 400, 144>}, {pipeline_mode = #tpu.pipeline_mode<synchronous>, transform_indices = @transform_2, window_bounds = array<i64: 8, 128>}, {pipeline_mode = #tpu.pipeline_mode<synchronous>, transform_indices = @transform_3, window_bounds = array<i64: 128, 128>}, {pipeline_mode = #tpu.pipeline_mode<synchronous>, transform_indices = @transform_4, window_bounds = array<i64: 1, 128>}, {transform_indices = @transform_5, window_bounds = array<i64: 400, 128>}]} {
    %get3A = arith.constant 0 : index
    %get3A_0 = arith.constant 0 : index
    %get3A_1 = vector.load %arg1[%get3A, %get3A_0] : memref<400x144xf32, #tpu.memory_space<vmem>>, vector<400x144xf32>
    %get3A_2 = arith.constant 0 : index
    %get3A_3 = arith.constant 0 : index
    %get3A_4 = vector.load %arg2[%get3A_2, %get3A_3] : memref<400x144xf32, #tpu.memory_space<vmem>>, vector<400x144xf32>
    %add3A = arith.addf %get3A_1, %get3A_4 : vector<400x144xf32>
    %slice3A = vector.extract_strided_slice %add3A {offsets = [0, 0], sizes = [400, 128], strides = [1, 1]} : vector<400x144xf32> to vector<400x128xf32>
    %slice3A_5 = vector.extract_strided_slice %add3A {offsets = [0, 128], sizes = [400, 8], strides = [1, 1]} : vector<400x144xf32> to vector<400x8xf32>
    %get3A_6 = arith.constant 0 : index
    %get3A_7 = arith.constant 0 : index
    %get3A_8 = vector.load %arg3[%get3A_6, %get3A_7] : memref<8x128xf32, #tpu.memory_space<vmem>>, vector<8x128xf32>
    %dot_general3A = arith.constant dense<0.000000e+00> : vector<400x128xf32>
    %dot_general3A_9 = tpu.matmul %slice3A_5, %get3A_8, %dot_general3A {dimension_numbers = #tpu.dot_dimension_numbers<[1], [0], [0], [1], [0, 0, 1, 1], [], []>, transpose_lhs_hint = false} : vector<400x8xf32>, vector<8x128xf32>, vector<400x128xf32> -> vector<400x128xf32>
    %add3A_10 = arith.constant 1.000000e-16 : f32
    %add3A_11 = vector.broadcast %add3A_10 : f32 to vector<400x128xf32>
    %add3A_12 = arith.addf %dot_general3A_9, %add3A_11 : vector<400x128xf32>
    %div3A = arith.divf %slice3A, %add3A_12 : vector<400x128xf32>
    %get3A_13 = arith.constant 0 : index
    %get3A_14 = arith.constant 0 : index
    %get3A_15 = vector.load %arg4[%get3A_13, %get3A_14] : memref<128x128xf32, #tpu.memory_space<vmem>>, vector<128x128xf32>
    %dot_general3A_16 = arith.constant dense<0.000000e+00> : vector<400x128xf32>
    %dot_general3A_17 = tpu.matmul %div3A, %get3A_15, %dot_general3A_16 {dimension_numbers = #tpu.dot_dimension_numbers<[1], [1], [0], [0], [0, 0, 1, 0], [], []>, transpose_lhs_hint = false} : vector<400x128xf32>, vector<128x128xf32>, vector<400x128xf32> -> vector<400x128xf32>
    %get3A_18 = arith.constant 0 : index
    %get3A_19 = arith.constant 0 : index
    %get3A_20 = vector.load %arg5[%get3A_18, %get3A_19] : memref<1x128xf32, #tpu.memory_space<vmem>>, vector<1x128xf32>
    %add3A_21 = vector.broadcast %get3A_20 : vector<1x128xf32> to vector<400x128xf32>
    %add3A_22 = arith.addf %dot_general3A_17, %add3A_21 : vector<400x128xf32>
    %swap3A = arith.constant 0 : index
    %swap3A_23 = arith.constant 0 : index
    %swap3A_24 = vector.load %arg6[%swap3A, %swap3A_23] : memref<400x128xf32, #tpu.memory_space<vmem>>, vector<400x128xf32>
    tpu.vector_store %arg6[%swap3A, %swap3A_23], %add3A_22 {strides = array<i32>} : memref<400x128xf32, #tpu.memory_space<vmem>>, vector<400x128xf32>,
    return
  }
  func.func @transform_0(%arg0: i32) -> (i32, i32) {
    %c0_i32 = arith.constant 0 : i32
    %c0_i32_0 = arith.constant 0 : i32
    return %arg0, %c0_i32 : i32, i32
  }
  func.func @transform_1(%arg0: i32) -> (i32, i32) {
    %c0_i32 = arith.constant 0 : i32
    %c0_i32_0 = arith.constant 0 : i32
    return %arg0, %c0_i32 : i32, i32
  }
  func.func @transform_2(%arg0: i32) -> (i32, i32) {
    %c0_i32 = arith.constant 0 : i32
    %c0_i32_0 = arith.constant 0 : i32
    %c0_i32_1 = arith.constant 0 : i32
    return %c0_i32, %c0_i32_0 : i32, i32
  }
  func.func @transform_3(%arg0: i32) -> (i32, i32) {
    %c0_i32 = arith.constant 0 : i32
    %c0_i32_0 = arith.constant 0 : i32
    %c0_i32_1 = arith.constant 0 : i32
    return %c0_i32, %c0_i32_0 : i32, i32
  }
  func.func @transform_4(%arg0: i32) -> (i32, i32) {
    %c0_i32 = arith.constant 0 : i32
    %c0_i32_0 = arith.constant 0 : i32
    %c0_i32_1 = arith.constant 0 : i32
    return %c0_i32, %c0_i32_0 : i32, i32
  }
  func.func @transform_5(%arg0: i32) -> (i32, i32) {
    %c0_i32 = arith.constant 0 : i32
    %c0_i32_0 = arith.constant 0 : i32
    return %arg0, %c0_i32 : i32, i32
  }
}

</mosaic_0001>

<sc_bundles>
// kernel: kernel.6.cloned.1.call-start
scs
__scs_entry_jumppad:
0x0: {  	(pc) =	sbr.rel $0x88, $3  }
0x1: {  	(tag) =	ssettag $0x0;
	lr =	simm.s32 $0x1  }
0x2: {  	[smem:$0x3F9A] =	sst lr;
	_ =	strace $0xD0000000  }
0x3: {  	_ = 	snop  }
0x4: {  	_ = 	snop  }
0x5: {  	_ = 	snop  }
0x6: {  	_ = 	snop  }
0x7: {  	_ = 	snop  }
__scs_overlays_trampoline_lowered:
0x8: {  	[smem:$0x3FA9] =	sst s0  }
0x9: {  	[smem:$0x3FAA] =	sst s1  }
0xa: {  	[smem:$0x3FAB] =	sst s2  }
0xb: {  	[smem:$0x3FAC] =	sst s3  }
0xc: {  	[smem:$0x3FAD] =	sst s4  }
0xd: {  	[smem:$0x3FAE] =	sst s5  }
0xe: {  	[smem:$0x3FAF] =	sst s6  }
0xf: {  	[smem:$0x3FB0] =	sst s7  }
0x10: {  	[smem:$0x3FB1] =	sst s8  }
0x11: {  	[smem:$0x3FB2] =	sst s9;
	s0 =	simm.s32 @!p0 $0x0  }
0x12: {  	s1 =	sld [smem:$0x3F98];
	s0 =	simm.s32 @p0 $0x1  }
0x13: {  	[smem:$0x3FB3] =	sst s0;
	s0 =	simm.s32 @!p1 $0x0  }
0x14: {  	s2 =	sld [smem:$0x3F97];
	s0 =	simm.s32 @p1 $0x1  }
0x15: {  	[smem:$0x3FB4] =	sst s0;
	s0 =	simm.s32 @!p2 $0x0  }
0x16: {  	s3 =	sld [smem:$0x3FDB];
	s0 =	simm.s32 @p2 $0x1  }
0x17: {  	s4 =	simm.s32 $0x1BF5;
	[smem:$0x3FB6] =	sst s0  }
0x18: {  	s0 =	sld [smem:$0x3F99];
	_ =	swait.ge [sflag:s4], $0x0  }
0x19: {  	s7 =	sld [smem:$0x3F9A]  }
0x1a: {  	s8 =	sadd.s32 $0xFFFFE003, lr  }
0x1b: {  	s9 =	sadd.s32 $0xFFFFFEF7, lr;
	s5 =	simm.s32 $0xFFFFFFFF;
	p2 =	slt.u32 s8, $0xFFFFF086  }
0x1c: {  	p1 =	slt.u32 s9, $0xF7A;
	s5 =	simm.s32 @!p2 $0x0  }
0x1d: {  	s5 =	simm.s32 @p1 $0x1;
	p0 =	seq.s32 s7, s2  }
0x1e: {  	s7 =	smul.u32 @!p0 $0xF7A, s2;
	p2 =	seq.s32 @!p0 s5, $0x0  }
0x1f: {  	s9 =	smul.u32 $0xF7A, s1;
	s8 =	simm.s32 @!p0 $0x1BF5;
	p2 =	por !p2, p0  }
0x20: {  	[sflag:s8] =	ssyncset.s32 @!p0 $0xFFFFF086;
	s6 =	sadd.s32 @!p0 s3, s7;
	s7 =	simm.s32 @!p0 $0x108  }
0x21: {  	s3 =	sadd.s32 s3, s9;
	s6 =	sadd.s32 @!p0 $0x88, s6;
	s7 =	simm.s32 @p2 $0x1082  }
0x22: {  	[simem:s7], [sflag:s8] =	dma.local @!p0 [hbm:s6], $0xF7A  }
0x23: {  	s9 =	sor.u32 $0xD0000000, s2;
	s6 =	simm.s32 $0x108;
	_ =	swait.ge @!p0 [sflag:s8], $0x0  }
0x24: {  	s3 =	sadd.s32 $0x88, s3;
	s6 =	simm.s32 @!p1 $0x1082;
	[sflag:s4] =	ssyncset.s32 $0xFFFFF086  }
0x25: {  	[simem:s6], [sflag:s4] =	dma.local [hbm:s3], $0xF7A  }
0x26: {  	[smem:$0x3F9A] =	sst s1;
	(tag) =	ssettag s2;
	_ =	strace s9  }
0x27: {  	s1 =	sld [smem:$0x3FAA]  }
0x28: {  	s2 =	sld [smem:$0x3FAB]  }
0x29: {  	s4 =	sld [smem:$0x3FAD]  }
0x2a: {  	p0 =	seq.s32 s5, $0x0;
	s5 =	sld [smem:$0x3FAE]  }
0x2b: {  	s6 =	sld [smem:$0x3FAF]  }
0x2c: {  	s7 =	sld [smem:$0x3FB0]  }
0x2d: {  	s3 =	simm.s32 $0x108;
	s8 =	sld [smem:$0x3FB1]  }
0x2e: {  	s3 =	simm.s32 @!p0 $0x1082;
	s9 =	sld [smem:$0x3FB2]  }
0x2f: {  	lr =	sadd.s32 s0, s3;
	s0 =	sld [smem:$0x3FA9]  }
0x30: {  	s3 =	sld [smem:$0x3FAC]  }
0x31: {  	[smem:$0x3FB5] =	sst s10  }
0x32: {  	s10 =	sld [smem:$0x3FB3];
	_ =	sdelay $0x3  }
0x33: {  	p0 =	seq.s32 s10, $0x1;
	s10 =	sld [smem:$0x3FB5];
	_ =	sdelay $0x3  }
0x34: {  	[smem:$0x3FB5] =	sst s10  }
0x35: {  	s10 =	sld [smem:$0x3FB4];
	_ =	sdelay $0x3  }
0x36: {  	p1 =	seq.s32 s10, $0x1;
	s10 =	sld [smem:$0x3FB5];
	_ =	sdelay $0x3  }
0x37: {  	[smem:$0x3FB5] =	sst s10  }
0x38: {  	s10 =	sld [smem:$0x3FB6]  }
0x39: {  	_ = 	snop;
	(pc) =	sbr.ind lr, $3  }
0x3a: {  	_ = 	snop  }
0x3b: {  	_ = 	snop  }
0x3c: {  	p2 =	seq.s32 s10, $0x1;
	s10 =	sld [smem:$0x3FB5]  }
0x3d: {  	_ =	shalt  }
0x3e: {  	_ =	shalt  }
0x3f: {  	_ =	shalt  }
0x40: {  	_ =	shalt  }
0x41: {  	_ =	shalt  }
0x42: {  	_ =	shalt  }
0x43: {  	_ =	shalt  }
0x44: {  	_ =	shalt  }
0x45: {  	_ =	shalt  }
0x46: {  	_ =	shalt  }
0x47: {  	_ =	shalt  }
0x48: {  	_ =	shalt  }
0x49: {  	_ =	shalt  }
0x4a: {  	_ =	shalt  }
0x4b: {  	_ =	shalt  }
0x4c: {  	_ =	shalt  }
0x4d: {  	_ =	shalt  }
0x4e: {  	_ =	shalt  }
0x4f: {  	_ =	shalt  }
0x50: {  	_ =	shalt  }
0x51: {  	_ =	shalt  }
0x52: {  	_ =	shalt  }
0x53: {  	_ =	shalt  }
0x54: {  	_ =	shalt  }
0x55: {  	_ =	shalt  }
0x56: {  	_ =	shalt  }
0x57: {  	_ =	shalt  }
0x58: {  	_ =	shalt  }
0x59: {  	_ =	shalt  }
0x5a: {  	_ =	shalt  }
0x5b: {  	_ =	shalt  }
0x5c: {  	_ =	shalt  }
0x5d: {  	_ =	shalt  }
0x5e: {  	_ =	shalt  }
0x5f: {  	_ =	shalt  }
0x60: {  	_ =	shalt  }
0x61: {  	_ =	shalt  }
0x62: {  	_ =	shalt  }
0x63: {  	_ =	shalt  }
0x64: {  	_ =	shalt  }
0x65: {  	_ =	shalt  }
0x66: {  	_ =	shalt  }
0x67: {  	_ =	shalt  }
0x68: {  	_ =	shalt  }
0x69: {  	_ =	shalt  }
0x6a: {  	_ =	shalt  }
0x6b: {  	_ =	shalt  }
0x6c: {  	_ =	shalt  }
0x6d: {  	_ =	shalt  }
0x6e: {  	_ =	shalt  }
0x6f: {  	_ =	shalt  }
0x70: {  	_ =	shalt  }
0x71: {  	_ =	shalt  }
0x72: {  	_ =	shalt  }
0x73: {  	_ =	shalt  }
0x74: {  	_ =	shalt  }
0x75: {  	_ =	shalt  }
0x76: {  	_ =	shalt  }
0x77: {  	_ =	shalt  }
0x78: {  	_ =	shalt  }
0x79: {  	_ =	shalt  }
0x7a: {  	_ =	shalt  }
0x7b: {  	_ =	shalt  }
0x7c: {  	_ =	shalt  }
0x7d: {  	_ =	shalt  }
0x7e: {  	_ =	shalt  }
0x7f: {  	_ =	shalt  }
0x80: {  	_ =	shalt  }
0x81: {  	_ =	shalt  }
0x82: {  	_ =	shalt  }
0x83: {  	_ =	shalt  }
0x84: {  	_ =	shalt  }
0x85: {  	_ =	shalt  }
0x86: {  	_ =	shalt  }
0x87: {  	_ =	shalt  }
.Lfunc_end0:
.L_simem_size_0:
called_computation_lowered:
.L_overlay_start_0:
0x88: {  	s2 =	sld [smem:$0x3FD9]  }
0x89: {  	s3 =	sld [smem:$0x3FFE];
	_ =	sdelay $0x1  }
0x8a: {  	s1 =	srdreg.scid  }
0x8b: {  	s0 =	sand.u32 $0x1, s1  }
0x8c: {  	s17 =	sshll.u32 s0, $0xA;
	s2 =	sadd.s32 s3, s2  }
0x8d: {  	s2 =	sadd.s32 s2, s17  }
0x8e: {  	[smem:$0x3FC1] =	sst s2  }
0x8f: {  	_ = 	snop  }
0x90: {  	s2 =	sld [smem:$0x3FD0];
	(tm) =	ssettm $0x1  }
0x91: {  	s18 =	sld [smem:$0x3FFB];
	_ =	sdelay $0x3  }
0x92: {  	_ =	strace s18  }
0x93: {  	s3 =	sld [smem:$0x3FFC];
	_ =	sdelay $0x3  }
0x94: {  	_ =	strace s3  }
0x95: {  	s3 =	sld [smem:$0x3FFD];
	_ =	sdelay $0x3  }
0x96: {  	_ =	strace s3  }
0x97: {  	_ =	strace $0x8FFFFFFF  }
0x98: {  	s19 =	sld [smem:$0x3FDB];
	_ =	sdelay $0x1  }
0x99: {  	s4 =	simm.s32 $_scs_section_size  }
0x9a: {  	s5 =	simm.s32 $_size__tile_overlayer_lowered;
	s6 =	simm.s32 $_tile_overlayer_lowered  }
0x9b: {  	s22 =	simm.s32 $0x1BFF;
	s21 =	sshll.u32 s6, $0x1;
	s3 =	sadd.s32 s4, s19  }
0x9c: {  	s7 =	simm.s32 $0x0;
	s20 =	sshll.u32 s5, $0x1;
	s5 =	sadd.s32 s21, s3  }
0x9d: {  	[timem:s7], [sflag:s22] =	dma.local [hbm:s5], s20  }
0x9e: {  	_ =	swait.ge [sflag:s22], s20  }
0x9f: {  	s4 =	ssub.s32 $0x0, s20;
	[sflag:s22] =	ssyncset.done $0x0  }
0xa0: {  	[sflag:s22] =	ssyncadd.s32 s4;
	_ =	sdelay $0x1  }
0xa1: {  	s23 =	simm.s32 $0x1B8B  }
0xa2: {  	_ =	swait.ge [sflag:s23], $0x1  }
0xa3: {  	[sflag:s23] =	ssyncset.done $0x0  }
0xa4: {  	s25 =	simm.s32 $0x1B8E;
	s24 =	sld [smem:$0x3FFE];
	[sflag:s23] =	ssyncadd.s32 $0xFFFFFFFF  }
0xa5: {  	s26 =	simm.s32 $execute0_lowered;
	[smem:$0x3FD2] =	sst s25  }
0xa6: {  	s5 =	sshll.u32 s26, $0x1;
	_ =	strace $0x80000046;
	[dreg:$0x1] =	wrdreg $0xFFFFFFFF  }
0xa7: {  	s28 =	simm.s32 $_size_execute0_lowered;
	s3 =	sadd.s32 s3, s5;
	[dreg:$0x0] =	wrdreg $0x0  }
0xa8: {  	s5 =	sshll.u32 s28, $0x1;
	[dreg:$0x2] =	wrdreg s3  }
0xa9: {  	[dreg:$0x3] =	wrdreg s5  }
0xaa: {  	[dreg:$0x4] =	wrdreg $0xC0  }
0xab: {  	_ =	task [dreg:s7], $0x5FFFF  }
0xac: {  	[dreg:$0x1] =	wrdreg $0xFFFFFFFF  }
0xad: {  	[dreg:$0x0] =	wrdreg $0x60  }
0xae: {  	[dreg:$0x2] =	wrdreg s2  }
0xaf: {  	[dreg:$0x3] =	wrdreg s24  }
0xb0: {  	[dreg:$0x4] =	wrdreg $0x94C00  }
0xb1: {  	[dreg:$0x5] =	wrdreg $0x9  }
0xb2: {  	_ =	task.clear_ibuf [dreg:s7], $0x6FFFF;
	_ =	strace $0x90000046  }
0xb3: {  	s29 =	simm.s32 $0x9;
	_ =	strace $0x80000048  }
0xb4: {  	_ =	swait.ge [sflag:s29], $0x1  }
0xb5: {  	[sflag:s29] =	ssyncadd.s32 $0xFFFFFFFF  }
0xb6: {  	_ =	strace $0x90000048  }
0xb7: {  	_ =	sfence  }
0xb8: {  	s30 =	sld [smem:$0x0];
	_ =	sdelay $0x2  }
0xb9: {  	s31 =	sshll.u32 s1, $0xD;
	s1 =	sshrl.u32 s1, $0x2  }
0xba: {  	s3 =	sand.u32 $0x4000, s31;
	s1 =	sadd.s32 s1, s30  }
0xbb: {  	s0 =	sor.u32 s3, s0;
	s1 =	sshll.u32 s1, $0x11  }
0xbc: {  	s0 =	sor.u32 s1, s0  }
0xbd: {  	s0 =	sadd.s32 $0x8F2B, s0  }
0xbe: {  	[sflag:s0] =	ssyncadd.remote.s32 $0x1  }
0xbf: {  	_ =	sfence.sel $0xFFFF  }
0xc0: {  	[dreg:$0x0] =	wrdreg $0xFFFFFFFF;
	(pc) =	sbr.abs _section_cstart, $3  }
0xc1: {  	[dreg:$0x1] =	wrdreg $0xFFFFFFFF  }
0xc2: {  	_ =	task.clear_ibuf [dreg:s7], $0x2FFFF;
	_ =	strace $0x9FFFFFFF  }
0xc3: {  	(tm) =	ssettm $0x7FFFFFFF  }
tec
execute0_lowered:
.L_overlay_start_1:
0x0: {  	(tag) =	ssettag $0x1  }
0x1: {  	s1 =	rddreg [dreg:$0x0]  }
0x2: {  	s0 =	rddreg [dreg:$0x1]  }
0x3: {  	s2 =	rddreg [dreg:$0x2]  }
0x4: {  	s4 =	simm.s32 $0x0;
	s3 =	srdreg.scid;
	s12 =	stileid.u32  }
0x5: {  	v0 =	vimm.s32 $0x76543210;
	v1 =	vimm.s32 $0xFEDCBA98;
	s16 =	simm.s32 $0x5;
	s18 =	simm.s32 $0x28;
	s19 =	simm.s32 $0x640  }
0x6: {  	v2 =	vimm.s32 $0xBA98FEDC;
	v3 =	vimm.s32 $0x32107654;
	s20 =	simm.s32 $0x1A40;
	s21 =	simm.s32 $0x1;
	s22 =	simm.s32 $0x2  }
0x7: {  	v4 =	vimm.s32 $0xDCFE98BA;
	v5 =	vimm.s32 $0x54761032;
	s23 =	simm.s32 $0x4240;
	s24 =	simm.s32 $0x5640;
	s28 =	simm.s32 $0x4  }
0x8: {  	v6 =	vimm.s32 $0xEFCDAB89;
	v7 =	vimm.s32 $0x67452301;
	s29 =	simm.s32 $0x0;
	[smem:$0x7FF] =	sst s4;
	s3 =	sand.u32 $0x1, s3  }
0x9: {  	vm0 =	vmmov $0x1;
	vm1 =	vcmask $0x308;
	s8 =	smul.u32 $0x15F90, s12;
	s5 =	sadd.s32 $0x14E00, s0;
	s6 =	sadd.s32 $0xB000, s0  }
0xa: {  	vm2 =	vcmask $0x70C;
	vm3 =	vcmask $0xB10;
	vm4 =	vcmask $0xF14;
	s7 =	sadd.s32 $0x1200, s0;
	s10 =	sadd.s32 $0x63000, s0;
	s25 =	sshll.u32 s12, $0x1  }
0xb: {  	v0 =	vunpack.c.l.s4.s8 v0;
	v1 =	vunpack.c.l.s4.s8 v1;
	v2 =	vunpack.c.l.s4.s8 v2;
	s30 =	sshll.u32 s12, $0x6;
	_ =	strace $0x80000047;
	s9 =	smul.u32 $0x15F900, s3  }
0xc: {  	v3 =	vunpack.c.l.s4.s8 v3;
	v4 =	vunpack.c.l.s4.s8 v4;
	v5 =	vunpack.c.l.s4.s8 v5;
	[dreg:$0x4] =	wrdreg s10;
	s11 =	ssub.s32 $0x2, s3;
	s3 =	sor.u32 s3, s25  }
0xd: {  	v6 =	vunpack.c.l.s4.s8 v6;
	v7 =	vunpack.c.l.s4.s8 v7;
	s25 =	simm.s32 $0x7E40;
	s26 =	sshrl.u32 s11, $0x1;
	s10 =	smul.u32 $0x4E2, s3;
	v2 =	vunpack.c.0.s8.s32 v2  }
0xe: {  	s3 =	smul.u32 $0xFA, s3;
	v3 =	vunpack.c.0.s8.s32 v3;
	v4 =	vunpack.c.0.s8.s32 v4;
	v5 =	vunpack.c.0.s8.s32 v5;
	s9 =	sadd.s32 s8, s9;
	s11 =	ssub.s32 s11, s26  }
.Ltmp0:
0xf: {  	v1 =	vunpack.c.0.s8.s32 v1;
	v6 =	vunpack.c.0.s8.s32 v6;
	v7 =	vunpack.c.0.s8.s32 v7;
	s8 =	sadd.s32 s8, s2;
	s26 =	simm.s32 $0x3;
	(pc) =	sbr.rel .LBB2_1-.Ltmp0, $4  }
0x10: {  	vm5 =	vcmask $0x1318;
	v0 =	vunpack.c.0.s8.s32 v0;
	s9 =	sshrl.u32 s9, $0x3;
	s31 =	sadd.s32 s6, s10;
	v2 =	vcombine.low v3, v2;
	s10 =	sadd.s32 s7, s10  }
0x11: {  	v3 =	vcombine.low v5, v4;
	s12 =	sadd.s32 $0x8, s3;
	v4 =	vcombine.low v7, v6;
	v1 =	vand.u32 $0xF, v1;
	s0 =	sadd.s32 s9, s0;
	[dreg:$0x5] =	wrdreg s31  }
0x12: {  	vm6 =	vcmask $0x171C;
	vm7 =	vcmask $0x1B20;
	s14 =	smax.u32 s11, $0x1;
	[dreg:$0x6] =	wrdreg s10;
	v0 =	vcombine.low v1, v0;
	s0 =	sadd.s32 $0x65C00, s0  }
0x13: {  	s15 =	sshrl.u32 s8, $0x3;
	s9 =	sor.u32 $0x1C05, s30;
	v1 =	vand.u32 $0xF, v2;
	v2 =	vand.u32 $0xF, v3;
	v3 =	vand.u32 $0xF, v4;
	[dreg:$0x7] =	wrdreg s0  }
.LBB2_11:
0x14: {  	s29 =	sadd.s32 $0x1, s29  }
0x15: {  	[bflag:$0x0] =	sbarrier.arrive $0xFFFF;
	p0 =	sne.s32 s29, s14  }
.Ltmp1:
0x16: {  	s0 =	rddreg [dreg:$0x7];
	(pc) =	sbr.rel @!p0 .LBB2_12-.Ltmp1, $4  }
0x17: {  	[hbm:s0], [sflag:s9] =	dma.local [spmem:s15], $0x2BF2  }
0x18: {  	_ =	swait.ge [sflag:s16], $0x2BF2  }
0x19: {  	[sflag:s16] =	ssyncset.done $0x0  }
0x1a: {  	[sflag:s16] =	ssyncadd.s32 $0xFFFFD40E  }
.LBB2_1:
0x1b: {  	s0 =	rddreg [dreg:$0x4]  }
0x1c: {  	[spmem:s15], [sflag:s9] =	dma.local [hbm:s0], $0x2BF2  }
0x1d: {  	_ =	swait.ge [sflag:s16], $0x2BF2  }
0x1e: {  	[sflag:s16] =	ssyncset.done $0x0  }
0x1f: {  	[sflag:s16] =	ssyncadd.s32 $0xFFFFD40E  }
0x20: {  	[bflag:$0x0] =	sbarrier.arrive $0xFFFF  }
0x21: {  	s17 =	rddreg [dreg:$0x5]  }
0x22: {  	[tilespmem:s4], [sflag:$0x5] =	stream.linear.gather [hbm4b:s17+s4], $0x190, $0x38;
	[tilespmem:$0x1F450] =	vst v63  }
0x23: {  	_ =	swait.ge [sflag:s16], $0x190  }
0x24: {  	[sflag:s16] =	ssyncset.done $0x0  }
0x25: {  	s3 =	simm.s32 $0x320;
	s31 =	rddreg [dreg:$0x6];
	[sflag:s16] =	ssyncadd.s32 $0xFFFFFE70  }
0x26: {  	[tilespmem:s3], [sflag:$0x5] =	stream.linear.gather [hbm4b:s31+s4], $0x190, $0x38;
	[tilespmem:$0x1F450] =	vst v63  }
0x27: {  	_ =	swait.ge [sflag:s16], $0x190  }
0x28: {  	[sflag:s16] =	ssyncset.done $0x0  }
0x29: {  	[sflag:s16] =	ssyncadd.s32 $0xFFFFFE70  }
0x2a: {  	[tilespmem:s19], [sflag:$0x1] =	stream.indirect.gather [hbm4b:s1+s18], $0x80, s4, s18, $0xb8;
	[tilespmem:$0x1F450] =	vst v63  }
0x2b: {  	s30 =	simm.s32 $0x0  }
0x2c: {  	[tilespmem:s20], [sflag:$0x2] =	stream.indirect.gather [hbm4b:s5+s18], $0x100, s3, s18, $0xb8;
	[tilespmem:$0x1F450] =	vst v63  }
.LBB2_2:
0x2d: {  	s0 =	sshll.u32 s30, $0x1  }
0x2e: {  	s3 =	sand.u32 $0xFE, s0  }
0x2f: {  	s3 =	smul.u32 $0xCD, s3;
	_ =	sdelay $0x1  }
0x30: {  	s3 =	sshrl.u32 s3, $0xC  }
0x31: {  	s3 =	smul.u32 $0x14, s3  }
0x32: {  	_ =	swait.ge [sflag:s21], $0x1400  }
0x33: {  	[sflag:s21] =	ssyncset.done $0x0;
	s8 =	ssub.s32 s0, s3  }
0x34: {  	[sflag:s21] =	ssyncadd.s32 $0xFFFFEC00;
	s3 =	sand.u32 $0xFE, s8  }
0x35: {  	_ =	swait.ge [sflag:s22], $0x2800;
	s10 =	smul.u32 $0x28, s3  }
0x36: {  	[sflag:s22] =	ssyncset.done $0x0  }
0x37: {  	[sflag:s22] =	ssyncadd.s32 $0xFFFFD800;
	s31 =	sadd.s32 $0x28, s10  }
0x38: {  	[tilespmem:s23], [sflag:$0x3] =	stream.indirect.gather [hbm4b:s1+s18], $0x80, s31, s18, $0xb8;
	[tilespmem:$0x1F450] =	vst v63  }
0x39: {  	s10 =	sadd.s32 $0x348, s10  }
0x3a: {  	[tilespmem:s24], [sflag:$0x4] =	stream.indirect.gather [hbm4b:s5+s18], $0x100, s10, s18, $0xb8;
	[tilespmem:$0x1F450] =	vst v63  }
0x3b: {  	s11 =	simm.s32 $0x7E80;
	s17 =	simm.s32 $0x1AC0;
	s10 =	simm.s32 $0x0  }
.LBB2_3:
0x3c: {  	s13 =	sshra.s32 s10, $0x2;
	v5 =	vld [tilespmem:s17+$0xFFFFFF80]  }
0x3d: {  	v4 =	vld [tilespmem:s13+$0x640];
	_ =	sdelay $0x4  }
0x3e: {  	v4 =	vmul.f32 v5, v4;
	_ =	sdelay $0x1  }
0x3f: {  	v5 =	vperm.xlane v4, v0;
	_ =	sdelay $0x1  }
0x40: {  	v4 =	vadd.f32 v5, v4;
	_ =	sdelay $0x1  }
0x41: {  	v5 =	vperm.xlane v4, v1;
	_ =	sdelay $0x1  }
0x42: {  	v4 =	vadd.f32 v5, v4;
	_ =	sdelay $0x1  }
0x43: {  	v5 =	vperm.xlane v4, v2;
	_ =	sdelay $0x1  }
0x44: {  	v4 =	vadd.f32 v5, v4;
	_ =	sdelay $0x1  }
0x45: {  	v5 =	vperm.xlane v4, v3;
	_ =	sdelay $0x1  }
0x46: {  	v4 =	vadd.f32 v5, v4;
	_ =	sdelay $0x1  }
0x47: {  	v4 =	vmul.f32 $2.500000000e-01, v4;
	_ =	sdelay $0x1  }
0x48: {  	v4 =	vmul.f32 $1.442695020e+00, v4;
	_ =	sdelay $0x1  }
0x49: {  	(erf) = vpow2.f32 v4;
	_ =	sdelay $0x4  }
0x4a: {  	v4 =	vld [tilespmem:s17+$0x0];
	_ =	sdelay $0x3  }
0x4b: {  	v5 =	vpop (erf)  }
0x4c: {  	v4 =	vmul.f32 v5, v4;
	_ =	sdelay $0x1  }
0x4d: {  	[tilespmem:s11+$0xFFFFFFC0] =	vst v4  }
0x4e: {  	v4 =	vld [tilespmem:s13+$0x650]  }
0x4f: {  	v6 =	vld [tilespmem:s17+$0xFFFFFF90];
	_ =	sdelay $0x4  }
0x50: {  	v4 =	vmul.f32 v6, v4;
	_ =	sdelay $0x1  }
0x51: {  	v6 =	vperm.xlane v4, v0;
	_ =	sdelay $0x1  }
0x52: {  	v4 =	vadd.f32 v6, v4;
	_ =	sdelay $0x1  }
0x53: {  	v6 =	vperm.xlane v4, v1;
	_ =	sdelay $0x1  }
0x54: {  	v4 =	vadd.f32 v6, v4;
	_ =	sdelay $0x1  }
0x55: {  	v6 =	vperm.xlane v4, v2;
	_ =	sdelay $0x1  }
0x56: {  	v4 =	vadd.f32 v6, v4;
	_ =	sdelay $0x1  }
0x57: {  	v6 =	vperm.xlane v4, v3;
	_ =	sdelay $0x1  }
0x58: {  	v4 =	vadd.f32 v6, v4;
	_ =	sdelay $0x1  }
0x59: {  	v4 =	vmul.f32 $2.500000000e-01, v4;
	_ =	sdelay $0x1  }
0x5a: {  	v4 =	vmul.f32 $1.442695020e+00, v4;
	_ =	sdelay $0x1  }
0x5b: {  	(erf) = vpow2.f32 v4;
	_ =	sdelay $0x4  }
0x5c: {  	v4 =	vld [tilespmem:s17+$0x10];
	_ =	sdelay $0x3  }
0x5d: {  	v55 =	vpop (erf)  }
0x5e: {  	v4 =	vmul.f32 v55, v4;
	_ =	sdelay $0x1  }
0x5f: {  	[tilespmem:s11+$0xFFFFFFD0] =	vst v4  }
0x60: {  	v4 =	vld [tilespmem:s13+$0x660]  }
0x61: {  	v7 =	vld [tilespmem:s17+$0xFFFFFFA0];
	_ =	sdelay $0x4  }
0x62: {  	v4 =	vmul.f32 v7, v4;
	_ =	sdelay $0x1  }
0x63: {  	v7 =	vperm.xlane v4, v0;
	_ =	sdelay $0x1  }
0x64: {  	v4 =	vadd.f32 v7, v4;
	_ =	sdelay $0x1  }
0x65: {  	v7 =	vperm.xlane v4, v1;
	_ =	sdelay $0x1  }
0x66: {  	v4 =	vadd.f32 v7, v4;
	_ =	sdelay $0x1  }
0x67: {  	v7 =	vperm.xlane v4, v2;
	_ =	sdelay $0x1  }
0x68: {  	v4 =	vadd.f32 v7, v4;
	_ =	sdelay $0x1  }
0x69: {  	v7 =	vperm.xlane v4, v3;
	_ =	sdelay $0x1  }
0x6a: {  	v4 =	vadd.f32 v7, v4;
	_ =	sdelay $0x1  }
0x6b: {  	v4 =	vmul.f32 $2.500000000e-01, v4;
	_ =	sdelay $0x1  }
0x6c: {  	v4 =	vmul.f32 $1.442695020e+00, v4;
	_ =	sdelay $0x1  }
0x6d: {  	(erf) = vpow2.f32 v4;
	_ =	sdelay $0x4  }
0x6e: {  	v4 =	vld [tilespmem:s17+$0x20];
	_ =	sdelay $0x3  }
0x6f: {  	v56 =	vpop (erf)  }
0x70: {  	v4 =	vmul.f32 v56, v4;
	_ =	sdelay $0x1  }
0x71: {  	[tilespmem:s11+$0xFFFFFFE0] =	vst v4  }
0x72: {  	v4 =	vld [tilespmem:s13+$0x670]  }
0x73: {  	v8 =	vld [tilespmem:s17+$0xFFFFFFB0];
	_ =	sdelay $0x4  }
0x74: {  	v4 =	vmul.f32 v8, v4;
	_ =	sdelay $0x1  }
0x75: {  	v8 =	vperm.xlane v4, v0;
	_ =	sdelay $0x1  }
0x76: {  	v4 =	vadd.f32 v8, v4;
	_ =	sdelay $0x1  }
0x77: {  	v8 =	vperm.xlane v4, v1;
	_ =	sdelay $0x1  }
0x78: {  	v4 =	vadd.f32 v8, v4;
	_ =	sdelay $0x1  }
0x79: {  	v8 =	vperm.xlane v4, v2;
	_ =	sdelay $0x1  }
0x7a: {  	v4 =	vadd.f32 v8, v4;
	_ =	sdelay $0x1  }
0x7b: {  	v8 =	vperm.xlane v4, v3;
	_ =	sdelay $0x1  }
0x7c: {  	v4 =	vadd.f32 v8, v4;
	_ =	sdelay $0x1  }
0x7d: {  	v4 =	vmul.f32 $2.500000000e-01, v4;
	_ =	sdelay $0x1  }
0x7e: {  	v4 =	vmul.f32 $1.442695020e+00, v4;
	_ =	sdelay $0x1  }
0x7f: {  	(erf) = vpow2.f32 v4;
	_ =	sdelay $0x4  }
0x80: {  	v4 =	vld [tilespmem:s17+$0x30];
	_ =	sdelay $0x3  }
0x81: {  	v57 =	vpop (erf)  }
0x82: {  	v4 =	vmul.f32 v57, v4;
	_ =	sdelay $0x1  }
0x83: {  	[tilespmem:s11+$0xFFFFFFF0] =	vst v4  }
0x84: {  	v4 =	vld [tilespmem:s13+$0x680]  }
0x85: {  	v9 =	vld [tilespmem:s17+$0xFFFFFFC0];
	_ =	sdelay $0x4  }
0x86: {  	v4 =	vmul.f32 v9, v4;
	_ =	sdelay $0x1  }
0x87: {  	v9 =	vperm.xlane v4, v0;
	_ =	sdelay $0x1  }
0x88: {  	v4 =	vadd.f32 v9, v4;
	_ =	sdelay $0x1  }
0x89: {  	v9 =	vperm.xlane v4, v1;
	_ =	sdelay $0x1  }
0x8a: {  	v4 =	vadd.f32 v9, v4;
	_ =	sdelay $0x1  }
0x8b: {  	v9 =	vperm.xlane v4, v2;
	_ =	sdelay $0x1  }
0x8c: {  	v4 =	vadd.f32 v9, v4;
	_ =	sdelay $0x1  }
0x8d: {  	v9 =	vperm.xlane v4, v3;
	_ =	sdelay $0x1  }
0x8e: {  	v4 =	vadd.f32 v9, v4;
	_ =	sdelay $0x1  }
0x8f: {  	v4 =	vmul.f32 $2.500000000e-01, v4;
	_ =	sdelay $0x1  }
0x90: {  	v4 =	vmul.f32 $1.442695020e+00, v4;
	_ =	sdelay $0x1  }
0x91: {  	(erf) = vpow2.f32 v4;
	_ =	sdelay $0x4  }
0x92: {  	v4 =	vld [tilespmem:s17+$0x40];
	_ =	sdelay $0x3  }
0x93: {  	v58 =	vpop (erf)  }
0x94: {  	v4 =	vmul.f32 v58, v4;
	_ =	sdelay $0x1  }
0x95: {  	[tilespmem:s11+$0x0] =	vst v4  }
0x96: {  	v4 =	vld [tilespmem:s13+$0x690]  }
0x97: {  	v10 =	vld [tilespmem:s17+$0xFFFFFFD0];
	_ =	sdelay $0x4  }
0x98: {  	v4 =	vmul.f32 v10, v4;
	_ =	sdelay $0x1  }
0x99: {  	v10 =	vperm.xlane v4, v0;
	_ =	sdelay $0x1  }
0x9a: {  	v4 =	vadd.f32 v10, v4;
	_ =	sdelay $0x1  }
0x9b: {  	v10 =	vperm.xlane v4, v1;
	_ =	sdelay $0x1  }
0x9c: {  	v4 =	vadd.f32 v10, v4;
	_ =	sdelay $0x1  }
0x9d: {  	v10 =	vperm.xlane v4, v2;
	_ =	sdelay $0x1  }
0x9e: {  	v4 =	vadd.f32 v10, v4;
	_ =	sdelay $0x1  }
0x9f: {  	v10 =	vperm.xlane v4, v3;
	_ =	sdelay $0x1  }
0xa0: {  	v4 =	vadd.f32 v10, v4;
	_ =	sdelay $0x1  }
0xa1: {  	v4 =	vmul.f32 $2.500000000e-01, v4;
	_ =	sdelay $0x1  }
0xa2: {  	v4 =	vmul.f32 $1.442695020e+00, v4;
	_ =	sdelay $0x1  }
0xa3: {  	(erf) = vpow2.f32 v4;
	_ =	sdelay $0x4  }
0xa4: {  	v4 =	vld [tilespmem:s17+$0x50];
	_ =	sdelay $0x3  }
0xa5: {  	v59 =	vpop (erf)  }
0xa6: {  	v4 =	vmul.f32 v59, v4;
	_ =	sdelay $0x1  }
0xa7: {  	[tilespmem:s11+$0x10] =	vst v4  }
0xa8: {  	v4 =	vld [tilespmem:s13+$0x6A0]  }
0xa9: {  	v11 =	vld [tilespmem:s17+$0xFFFFFFE0];
	_ =	sdelay $0x4  }
0xaa: {  	v4 =	vmul.f32 v11, v4;
	_ =	sdelay $0x1  }
0xab: {  	v11 =	vperm.xlane v4, v0;
	_ =	sdelay $0x1  }
0xac: {  	v4 =	vadd.f32 v11, v4;
	_ =	sdelay $0x1  }
0xad: {  	v11 =	vperm.xlane v4, v1;
	_ =	sdelay $0x1  }
0xae: {  	v4 =	vadd.f32 v11, v4;
	_ =	sdelay $0x1  }
0xaf: {  	v11 =	vperm.xlane v4, v2;
	_ =	sdelay $0x1  }
0xb0: {  	v4 =	vadd.f32 v11, v4;
	_ =	sdelay $0x1  }
0xb1: {  	v11 =	vperm.xlane v4, v3;
	_ =	sdelay $0x1  }
0xb2: {  	v4 =	vadd.f32 v11, v4;
	_ =	sdelay $0x1  }
0xb3: {  	v4 =	vmul.f32 $2.500000000e-01, v4;
	_ =	sdelay $0x1  }
0xb4: {  	v4 =	vmul.f32 $1.442695020e+00, v4;
	_ =	sdelay $0x1  }
0xb5: {  	(erf) = vpow2.f32 v4;
	_ =	sdelay $0x4  }
0xb6: {  	v4 =	vld [tilespmem:s17+$0x60];
	_ =	sdelay $0x3  }
0xb7: {  	v60 =	vpop (erf)  }
0xb8: {  	v4 =	vmul.f32 v60, v4;
	_ =	sdelay $0x1  }
0xb9: {  	[tilespmem:s11+$0x20] =	vst v4  }
0xba: {  	v4 =	vld [tilespmem:s13+$0x6B0]  }
0xbb: {  	v12 =	vld [tilespmem:s17+$0xFFFFFFF0];
	_ =	sdelay $0x4  }
0xbc: {  	v4 =	vmul.f32 v12, v4;
	_ =	sdelay $0x1  }
0xbd: {  	v12 =	vperm.xlane v4, v0;
	_ =	sdelay $0x1  }
0xbe: {  	v4 =	vadd.f32 v12, v4;
	_ =	sdelay $0x1  }
0xbf: {  	v12 =	vperm.xlane v4, v1;
	_ =	sdelay $0x1  }
0xc0: {  	v4 =	vadd.f32 v12, v4;
	_ =	sdelay $0x1  }
0xc1: {  	v12 =	vperm.xlane v4, v2;
	_ =	sdelay $0x1  }
0xc2: {  	v4 =	vadd.f32 v12, v4;
	_ =	sdelay $0x1  }
0xc3: {  	v12 =	vperm.xlane v4, v3;
	_ =	sdelay $0x1  }
0xc4: {  	v4 =	vadd.f32 v12, v4;
	_ =	sdelay $0x1  }
0xc5: {  	v5 =	vnsel vm0, $0x0, v5;
	v4 =	vmul.f32 $2.500000000e-01, v4  }
0xc6: {  	v5 =	vadd.f32 $0.0e+00, v5  }
0xc7: {  	v6 =	vsel vm1, $0x0, v55;
	v4 =	vmul.f32 $1.442695020e+00, v4  }
0xc8: {  	v5 =	vadd.f32 v6, v5  }
0xc9: {  	(erf) = vpow2.f32 v4;
	v4 =	vsel vm2, $0x0, v56  }
0xca: {  	v4 =	vadd.f32 v4, v5  }
0xcb: {  	v5 =	vsel vm3, $0x0, v57  }
0xcc: {  	v4 =	vadd.f32 v5, v4  }
0xcd: {  	v5 =	vsel vm4, $0x0, v58  }
0xce: {  	v4 =	vadd.f32 v5, v4;
	v5 =	vld [tilespmem:s17+$0x70]  }
0xcf: {  	v61 =	vsel vm5, $0x0, v59  }
0xd0: {  	v4 =	vadd.f32 v61, v4  }
0xd1: {  	p0 =	sne.s32 s10, $0x4E00;
	v62 =	vsel vm6, $0x0, v60  }
.Ltmp2:
0xd2: {  	v4 =	vadd.f32 v62, v4;
	v63 =	vpop (erf);
	(pc) =	sbr.rel @p0 .LBB2_3-.Ltmp2, $4  }
0xd3: {  	v5 =	vmul.f32 v63, v5;
	v6 =	vsel vm7, $0x0, v63  }
0xd4: {  	v4 =	vadd.f32 v6, v4  }
0xd5: {  	[tilespmem:s11+$0x30] =	vst v5  }
0xd6: {  	s10 =	sadd.s32 $0x200, s10;
	s17 =	sadd.s32 $0x100, s17;
	[tilespmem:s11+$0x40] =	vst v4;
	s11 =	sadd.s32 $0x90, s11  }
0xd7: {  	s10 =	smul.u32 $0xA0, s3;
	_ =	sdelay $0x1  }
0xd8: {  	s8 =	sand.u32 $0xFF, s8;
	s10 =	sshrl.u32 s10, $0x2  }
0xd9: {  	[spmem:s2] =	stream.indirect.scatter.add.f32 [tilespmem:s25], [sflag:$0x5], $0x90, s10, s18, $0xb8;
	[tilespmem:$0x1F450] =	vst v63  }
0xda: {  	p0 =	slt.u32 s8, $0xA;
	s10 =	sadd.s32 $0xFFFFFFF6, s3;
	_ =	swait.ge [sflag:s16], $0x1680  }
0xdb: {  	s10 =	smov.u32 @p0 s3;
	p0 =	sgt.u32 s30, $0x74;
	[sflag:s16] =	ssyncset.done $0x0  }
0xdc: {  	p1 =	sne.s32 @!p0 s10, $0x2;
	[sflag:s16] =	ssyncadd.s32 $0xFFFFE980  }
0xdd: {  	p0 =	por p0, p1;
	_ =	swait.ge [sflag:s26], $0x1400  }
.Ltmp3:
0xde: {  	[sflag:s26] =	ssyncset.done $0x0;
	(pc) =	sbr.rel @p0 .LBB2_6-.Ltmp3, $4  }
0xdf: {  	[sflag:s26] =	ssyncadd.s32 $0xFFFFEC00  }
0xe0: {  	_ =	swait.ge [sflag:s28], $0x2800  }
0xe1: {  	[sflag:s28] =	ssyncset.done $0x0  }
0xe2: {  	[sflag:s28] =	ssyncadd.s32 $0xFFFFD800  }
0xe3: {  	s3 =	sadd.s32 s0, s12  }
0xe4: {  	s3 =	smul.u32 $0x5, s3  }
0xe5: {  	p0 =	seq.s32 s8, $0x2;
	s8 =	simm.s32 $0x190  }
0xe6: {  	s8 =	simm.s32 @!p0 $0x0;
	s10 =	sadd.s32 s6, s3  }
0xe7: {  	[tilespmem:s8], [sflag:$0x5] =	stream.linear.gather [hbm4b:s10+s4], $0x190, $0x38;
	[tilespmem:$0x1F450] =	vst v63  }
0xe8: {  	_ =	swait.ge [sflag:s16], $0x190  }
0xe9: {  	[sflag:s16] =	ssyncset.done $0x0  }
0xea: {  	s3 =	sadd.s32 s7, s3;
	s8 =	sadd.s32 $0x320, s8;
	[sflag:s16] =	ssyncadd.s32 $0xFFFFFE70  }
0xeb: {  	[tilespmem:s8], [sflag:$0x5] =	stream.linear.gather [hbm4b:s3+s4], $0x190, $0x38;
	[tilespmem:$0x1F450] =	vst v63  }
0xec: {  	_ =	swait.ge [sflag:s16], $0x190  }
0xed: {  	[sflag:s16] =	ssyncset.done $0x0  }
0xee: {  	[sflag:s16] =	ssyncadd.s32 $0xFFFFFE70  }
.LBB2_7:
0xef: {  	s0 =	sadd.s32 $0x2, s0  }
0xf0: {  	s3 =	smulhi.u32 $0xCCCCCCCD, s0;
	_ =	sdelay $0x1  }
0xf1: {  	s3 =	sshrl.u32 s3, $0x4  }
0xf2: {  	s3 =	smul.u32 $0x14, s3;
	_ =	sdelay $0x1  }
0xf3: {  	s0 =	ssub.s32 s0, s3  }
0xf4: {  	s0 =	smul.u32 $0x28, s0;
	_ =	sdelay $0x1  }
0xf5: {  	[tilespmem:s19], [sflag:$0x1] =	stream.indirect.gather [hbm4b:s1+s18], $0x80, s0, s18, $0xb8;
	[tilespmem:$0x1F450] =	vst v63  }
0xf6: {  	s0 =	sadd.s32 $0x320, s0  }
0xf7: {  	[tilespmem:s20], [sflag:$0x2] =	stream.indirect.gather [hbm4b:s5+s18], $0x100, s0, s18, $0xb8;
	[tilespmem:$0x1F450] =	vst v63  }
.LBB2_8:
0xf8: {  	s0 =	simm.s32 $0x0;
	s3 =	simm.s32 $0x7E80;
	s8 =	simm.s32 $0x56C0  }
.LBB2_9:
0xf9: {  	s10 =	sshra.s32 s0, $0x2;
	v5 =	vld [tilespmem:s8+$0xFFFFFF80]  }
0xfa: {  	v4 =	vld [tilespmem:s10+$0x4240];
	_ =	sdelay $0x4  }
0xfb: {  	v4 =	vmul.f32 v5, v4;
	_ =	sdelay $0x1  }
0xfc: {  	v5 =	vperm.xlane v4, v0;
	_ =	sdelay $0x1  }
0xfd: {  	v4 =	vadd.f32 v5, v4;
	_ =	sdelay $0x1  }
0xfe: {  	v5 =	vperm.xlane v4, v1;
	_ =	sdelay $0x1  }
0xff: {  	v4 =	vadd.f32 v5, v4;
	_ =	sdelay $0x1  }
0x100: {  	v5 =	vperm.xlane v4, v2;
	_ =	sdelay $0x1  }
0x101: {  	v4 =	vadd.f32 v5, v4;
	_ =	sdelay $0x1  }
0x102: {  	v5 =	vperm.xlane v4, v3;
	_ =	sdelay $0x1  }
0x103: {  	v4 =	vadd.f32 v5, v4;
	_ =	sdelay $0x1  }
0x104: {  	v4 =	vmul.f32 $2.500000000e-01, v4;
	_ =	sdelay $0x1  }
0x105: {  	v4 =	vmul.f32 $1.442695020e+00, v4;
	_ =	sdelay $0x1  }
0x106: {  	(erf) = vpow2.f32 v4;
	_ =	sdelay $0x4  }
0x107: {  	v4 =	vld [tilespmem:s8+$0x0];
	_ =	sdelay $0x3  }
0x108: {  	v5 =	vpop (erf)  }
0x109: {  	v4 =	vmul.f32 v5, v4;
	_ =	sdelay $0x1  }
0x10a: {  	[tilespmem:s3+$0xFFFFFFC0] =	vst v4  }
0x10b: {  	v4 =	vld [tilespmem:s10+$0x4250]  }
0x10c: {  	v6 =	vld [tilespmem:s8+$0xFFFFFF90];
	_ =	sdelay $0x4  }
0x10d: {  	v4 =	vmul.f32 v6, v4;
	_ =	sdelay $0x1  }
0x10e: {  	v6 =	vperm.xlane v4, v0;
	_ =	sdelay $0x1  }
0x10f: {  	v4 =	vadd.f32 v6, v4;
	_ =	sdelay $0x1  }
0x110: {  	v6 =	vperm.xlane v4, v1;
	_ =	sdelay $0x1  }
0x111: {  	v4 =	vadd.f32 v6, v4;
	_ =	sdelay $0x1  }
0x112: {  	v6 =	vperm.xlane v4, v2;
	_ =	sdelay $0x1  }
0x113: {  	v4 =	vadd.f32 v6, v4;
	_ =	sdelay $0x1  }
0x114: {  	v6 =	vperm.xlane v4, v3;
	_ =	sdelay $0x1  }
0x115: {  	v4 =	vadd.f32 v6, v4;
	_ =	sdelay $0x1  }
0x116: {  	v4 =	vmul.f32 $2.500000000e-01, v4;
	_ =	sdelay $0x1  }
0x117: {  	v4 =	vmul.f32 $1.442695020e+00, v4;
	_ =	sdelay $0x1  }
0x118: {  	(erf) = vpow2.f32 v4;
	_ =	sdelay $0x4  }
0x119: {  	v4 =	vld [tilespmem:s8+$0x10];
	_ =	sdelay $0x3  }
0x11a: {  	v55 =	vpop (erf)  }
0x11b: {  	v4 =	vmul.f32 v55, v4;
	_ =	sdelay $0x1  }
0x11c: {  	[tilespmem:s3+$0xFFFFFFD0] =	vst v4  }
0x11d: {  	v4 =	vld [tilespmem:s10+$0x4260]  }
0x11e: {  	v7 =	vld [tilespmem:s8+$0xFFFFFFA0];
	_ =	sdelay $0x4  }
0x11f: {  	v4 =	vmul.f32 v7, v4;
	_ =	sdelay $0x1  }
0x120: {  	v7 =	vperm.xlane v4, v0;
	_ =	sdelay $0x1  }
0x121: {  	v4 =	vadd.f32 v7, v4;
	_ =	sdelay $0x1  }
0x122: {  	v7 =	vperm.xlane v4, v1;
	_ =	sdelay $0x1  }
0x123: {  	v4 =	vadd.f32 v7, v4;
	_ =	sdelay $0x1  }
0x124: {  	v7 =	vperm.xlane v4, v2;
	_ =	sdelay $0x1  }
0x125: {  	v4 =	vadd.f32 v7, v4;
	_ =	sdelay $0x1  }
0x126: {  	v7 =	vperm.xlane v4, v3;
	_ =	sdelay $0x1  }
0x127: {  	v4 =	vadd.f32 v7, v4;
	_ =	sdelay $0x1  }
0x128: {  	v4 =	vmul.f32 $2.500000000e-01, v4;
	_ =	sdelay $0x1  }
0x129: {  	v4 =	vmul.f32 $1.442695020e+00, v4;
	_ =	sdelay $0x1  }
0x12a: {  	(erf) = vpow2.f32 v4;
	_ =	sdelay $0x4  }
0x12b: {  	v4 =	vld [tilespmem:s8+$0x20];
	_ =	sdelay $0x3  }
0x12c: {  	v56 =	vpop (erf)  }
0x12d: {  	v4 =	vmul.f32 v56, v4;
	_ =	sdelay $0x1  }
0x12e: {  	[tilespmem:s3+$0xFFFFFFE0] =	vst v4  }
0x12f: {  	v4 =	vld [tilespmem:s10+$0x4270]  }
0x130: {  	v8 =	vld [tilespmem:s8+$0xFFFFFFB0];
	_ =	sdelay $0x4  }
0x131: {  	v4 =	vmul.f32 v8, v4;
	_ =	sdelay $0x1  }
0x132: {  	v8 =	vperm.xlane v4, v0;
	_ =	sdelay $0x1  }
0x133: {  	v4 =	vadd.f32 v8, v4;
	_ =	sdelay $0x1  }
0x134: {  	v8 =	vperm.xlane v4, v1;
	_ =	sdelay $0x1  }
0x135: {  	v4 =	vadd.f32 v8, v4;
	_ =	sdelay $0x1  }
0x136: {  	v8 =	vperm.xlane v4, v2;
	_ =	sdelay $0x1  }
0x137: {  	v4 =	vadd.f32 v8, v4;
	_ =	sdelay $0x1  }
0x138: {  	v8 =	vperm.xlane v4, v3;
	_ =	sdelay $0x1  }
0x139: {  	v4 =	vadd.f32 v8, v4;
	_ =	sdelay $0x1  }
0x13a: {  	v4 =	vmul.f32 $2.500000000e-01, v4;
	_ =	sdelay $0x1  }
0x13b: {  	v4 =	vmul.f32 $1.442695020e+00, v4;
	_ =	sdelay $0x1  }
0x13c: {  	(erf) = vpow2.f32 v4;
	_ =	sdelay $0x4  }
0x13d: {  	v4 =	vld [tilespmem:s8+$0x30];
	_ =	sdelay $0x3  }
0x13e: {  	v57 =	vpop (erf)  }
0x13f: {  	v4 =	vmul.f32 v57, v4;
	_ =	sdelay $0x1  }
0x140: {  	[tilespmem:s3+$0xFFFFFFF0] =	vst v4  }
0x141: {  	v4 =	vld [tilespmem:s10+$0x4280]  }
0x142: {  	v9 =	vld [tilespmem:s8+$0xFFFFFFC0];
	_ =	sdelay $0x4  }
0x143: {  	v4 =	vmul.f32 v9, v4;
	_ =	sdelay $0x1  }
0x144: {  	v9 =	vperm.xlane v4, v0;
	_ =	sdelay $0x1  }
0x145: {  	v4 =	vadd.f32 v9, v4;
	_ =	sdelay $0x1  }
0x146: {  	v9 =	vperm.xlane v4, v1;
	_ =	sdelay $0x1  }
0x147: {  	v4 =	vadd.f32 v9, v4;
	_ =	sdelay $0x1  }
0x148: {  	v9 =	vperm.xlane v4, v2;
	_ =	sdelay $0x1  }
0x149: {  	v4 =	vadd.f32 v9, v4;
	_ =	sdelay $0x1  }
0x14a: {  	v9 =	vperm.xlane v4, v3;
	_ =	sdelay $0x1  }
0x14b: {  	v4 =	vadd.f32 v9, v4;
	_ =	sdelay $0x1  }
0x14c: {  	v4 =	vmul.f32 $2.500000000e-01, v4;
	_ =	sdelay $0x1  }
0x14d: {  	v4 =	vmul.f32 $1.442695020e+00, v4;
	_ =	sdelay $0x1  }
0x14e: {  	(erf) = vpow2.f32 v4;
	_ =	sdelay $0x4  }
0x14f: {  	v4 =	vld [tilespmem:s8+$0x40];
	_ =	sdelay $0x3  }
0x150: {  	v58 =	vpop (erf)  }
0x151: {  	v4 =	vmul.f32 v58, v4;
	_ =	sdelay $0x1  }
0x152: {  	[tilespmem:s3+$0x0] =	vst v4  }
0x153: {  	v4 =	vld [tilespmem:s10+$0x4290]  }
0x154: {  	v10 =	vld [tilespmem:s8+$0xFFFFFFD0];
	_ =	sdelay $0x4  }
0x155: {  	v4 =	vmul.f32 v10, v4;
	_ =	sdelay $0x1  }
0x156: {  	v10 =	vperm.xlane v4, v0;
	_ =	sdelay $0x1  }
0x157: {  	v4 =	vadd.f32 v10, v4;
	_ =	sdelay $0x1  }
0x158: {  	v10 =	vperm.xlane v4, v1;
	_ =	sdelay $0x1  }
0x159: {  	v4 =	vadd.f32 v10, v4;
	_ =	sdelay $0x1  }
0x15a: {  	v10 =	vperm.xlane v4, v2;
	_ =	sdelay $0x1  }
0x15b: {  	v4 =	vadd.f32 v10, v4;
	_ =	sdelay $0x1  }
0x15c: {  	v10 =	vperm.xlane v4, v3;
	_ =	sdelay $0x1  }
0x15d: {  	v4 =	vadd.f32 v10, v4;
	_ =	sdelay $0x1  }
0x15e: {  	v4 =	vmul.f32 $2.500000000e-01, v4;
	_ =	sdelay $0x1  }
0x15f: {  	v4 =	vmul.f32 $1.442695020e+00, v4;
	_ =	sdelay $0x1  }
0x160: {  	(erf) = vpow2.f32 v4;
	_ =	sdelay $0x4  }
0x161: {  	v4 =	vld [tilespmem:s8+$0x50];
	_ =	sdelay $0x3  }
0x162: {  	v59 =	vpop (erf)  }
0x163: {  	v4 =	vmul.f32 v59, v4;
	_ =	sdelay $0x1  }
0x164: {  	[tilespmem:s3+$0x10] =	vst v4  }
0x165: {  	v4 =	vld [tilespmem:s10+$0x42A0]  }
0x166: {  	v11 =	vld [tilespmem:s8+$0xFFFFFFE0];
	_ =	sdelay $0x4  }
0x167: {  	v4 =	vmul.f32 v11, v4;
	_ =	sdelay $0x1  }
0x168: {  	v11 =	vperm.xlane v4, v0;
	_ =	sdelay $0x1  }
0x169: {  	v4 =	vadd.f32 v11, v4;
	_ =	sdelay $0x1  }
0x16a: {  	v11 =	vperm.xlane v4, v1;
	_ =	sdelay $0x1  }
0x16b: {  	v4 =	vadd.f32 v11, v4;
	_ =	sdelay $0x1  }
0x16c: {  	v11 =	vperm.xlane v4, v2;
	_ =	sdelay $0x1  }
0x16d: {  	v4 =	vadd.f32 v11, v4;
	_ =	sdelay $0x1  }
0x16e: {  	v11 =	vperm.xlane v4, v3;
	_ =	sdelay $0x1  }
0x16f: {  	v4 =	vadd.f32 v11, v4;
	_ =	sdelay $0x1  }
0x170: {  	v4 =	vmul.f32 $2.500000000e-01, v4;
	_ =	sdelay $0x1  }
0x171: {  	v4 =	vmul.f32 $1.442695020e+00, v4;
	_ =	sdelay $0x1  }
0x172: {  	(erf) = vpow2.f32 v4;
	_ =	sdelay $0x4  }
0x173: {  	v4 =	vld [tilespmem:s8+$0x60];
	_ =	sdelay $0x3  }
0x174: {  	v60 =	vpop (erf)  }
0x175: {  	v4 =	vmul.f32 v60, v4;
	_ =	sdelay $0x1  }
0x176: {  	[tilespmem:s3+$0x20] =	vst v4  }
0x177: {  	v4 =	vld [tilespmem:s10+$0x42B0]  }
0x178: {  	v12 =	vld [tilespmem:s8+$0xFFFFFFF0];
	_ =	sdelay $0x4  }
0x179: {  	v4 =	vmul.f32 v12, v4;
	_ =	sdelay $0x1  }
0x17a: {  	v12 =	vperm.xlane v4, v0;
	_ =	sdelay $0x1  }
0x17b: {  	v4 =	vadd.f32 v12, v4;
	_ =	sdelay $0x1  }
0x17c: {  	v12 =	vperm.xlane v4, v1;
	_ =	sdelay $0x1  }
0x17d: {  	v4 =	vadd.f32 v12, v4;
	_ =	sdelay $0x1  }
0x17e: {  	v12 =	vperm.xlane v4, v2;
	_ =	sdelay $0x1  }
0x17f: {  	v4 =	vadd.f32 v12, v4;
	_ =	sdelay $0x1  }
0x180: {  	v12 =	vperm.xlane v4, v3;
	_ =	sdelay $0x1  }
0x181: {  	v4 =	vadd.f32 v12, v4;
	_ =	sdelay $0x1  }
0x182: {  	v5 =	vnsel vm0, $0x0, v5;
	v4 =	vmul.f32 $2.500000000e-01, v4  }
0x183: {  	v5 =	vadd.f32 $0.0e+00, v5  }
0x184: {  	v6 =	vsel vm1, $0x0, v55;
	v4 =	vmul.f32 $1.442695020e+00, v4  }
0x185: {  	v5 =	vadd.f32 v6, v5  }
0x186: {  	(erf) = vpow2.f32 v4;
	v4 =	vsel vm2, $0x0, v56  }
0x187: {  	v4 =	vadd.f32 v4, v5  }
0x188: {  	v5 =	vsel vm3, $0x0, v57  }
0x189: {  	v4 =	vadd.f32 v5, v4  }
0x18a: {  	v5 =	vsel vm4, $0x0, v58  }
0x18b: {  	v4 =	vadd.f32 v5, v4;
	v5 =	vld [tilespmem:s8+$0x70]  }
0x18c: {  	v61 =	vsel vm5, $0x0, v59  }
0x18d: {  	v4 =	vadd.f32 v61, v4  }
0x18e: {  	p0 =	sne.s32 s0, $0x4E00;
	v62 =	vsel vm6, $0x0, v60  }
.Ltmp4:
0x18f: {  	v4 =	vadd.f32 v62, v4;
	v63 =	vpop (erf);
	(pc) =	sbr.rel @p0 .LBB2_9-.Ltmp4, $4  }
0x190: {  	v5 =	vmul.f32 v63, v5;
	v6 =	vsel vm7, $0x0, v63  }
0x191: {  	v4 =	vadd.f32 v6, v4  }
0x192: {  	[tilespmem:s3+$0x30] =	vst v5  }
0x193: {  	s0 =	sadd.s32 $0x200, s0;
	s8 =	sadd.s32 $0x100, s8;
	[tilespmem:s3+$0x40] =	vst v4;
	s3 =	sadd.s32 $0x90, s3  }
0x194: {  	[spmem:s2] =	stream.indirect.scatter.add.f32 [tilespmem:s25], [sflag:$0x5], $0x90, s31, s18, $0xb8;
	[tilespmem:$0x1F450] =	vst v63  }
0x195: {  	s30 =	sadd.s32 $0x1, s30  }
0x196: {  	p0 =	sne.s32 s30, $0x7D  }
.Ltmp5:
0x197: {  	_ = 	snop;
	(pc) =	sbr.rel @p0 .LBB2_2-.Ltmp5, $4  }
.Ltmp6:
0x198: {  	_ = 	snop;
	(pc) =	sbr.rel @!p0 .LBB2_11-.Ltmp6, $4  }
0x199: {  	_ =	swait.ge [sflag:s16], $0x1680  }
0x19a: {  	[sflag:s16] =	ssyncset.done $0x0  }
0x19b: {  	[sflag:s16] =	ssyncadd.s32 $0xFFFFE980  }
0x19c: {  	_ = 	snop  }
.LBB2_6:
0x19d: {  	p0 =	seq.s32 s30, $0x7C  }
.Ltmp7:
0x19e: {  	_ = 	snop;
	(pc) =	sbr.rel @p0 .LBB2_8-.Ltmp7, $4  }
.Ltmp8:
0x19f: {  	_ = 	snop;
	(pc) =	sbr.rel @!p0 .LBB2_7-.Ltmp8, $4  }
0x1a0: {  	_ = 	snop  }
0x1a1: {  	_ = 	snop  }
0x1a2: {  	_ = 	snop  }
0x1a3: {  	_ = 	snop  }
.LBB2_12:
0x1a4: {  	_ =	sfence.sel $0x180000  }
0x1a5: {  	[bflag:$0x0] =	sbarrier.arrive $0xFFFF  }
0x1a6: {  	_ =	strace $0x90000047  }
0x1a7: {  	s0 =	stileid.u32;
	[bflag:$0x2] =	sbarrier.arrive $0xFFFF  }
0x1a8: {  	p0 =	sne.s32 s0, $0x0;
	s0 =	rddreg [dreg:$0x3]  }
0x1a9: {  	s0 =	sadd.s32 @!p0 $0x100000, s0  }
0x1aa: {  	[sflag:s0] =	ssyncadd.tile.s32 @!p0 $0x1;
	_ =	shalt  }
.Lfunc_end2:
_tile_overlayer_lowered:
.L_overlay_start_2:
0x1ab: {  	(tag) =	ssettag $0x2  }
0x1ac: {  	s0 =	rddreg [dreg:$0x0];
	s2 =	stileid.u32  }
0x1ad: {  	s1 =	rddreg [dreg:$0x1];
	p0 =	sne.s32 s2, $0x0  }
0x1ae: {  	s3 =	rddreg [dreg:$0x2];
	[bflag:$0x3] =	sbarrier.arrive $0xFFFF;
	s2 =	simm.s32 @!p0 $0x1C05  }
0x1af: {  	[timem:s3], [sflag:s2] =	dma.local @!p0 [hbm:s0], s1  }
0x1b0: {  	s0 =	simm.s32 @!p0 $0x5  }
0x1b1: {  	_ =	swait.ge @!p0 [sflag:s0], s1  }
0x1b2: {  	s1 =	ssub.s32 @!p0 $0x0, s1;
	[sflag:s0] =	ssyncset.done @!p0 $0x0  }
0x1b3: {  	[sflag:s0] =	ssyncadd.s32 @!p0 s1  }
0x1b4: {  	[bflag:$0x3] =	sbarrier.arrive $0xFFFF  }
0x1b5: {  	_ =	shalt  }

</sc_bundles>
